<compile_context>
chip_gen: v7x
topology: tpu7x:2x2x1
jax: 0.10.2.dev20260603
libtpu: 0.0.44.dev20260713+nightly
codegen_flags: <defaults>
</compile_context>

<pallas_src>
import functools

import jax
import jax.numpy as jnp
from jax import lax
from jax.experimental import pallas as pl
from jax.experimental.pallas import tpu as pltpu
from jax.experimental.pallas import tpu_sc as plsc

M = 16 * 512 * 512
B = 1024
NW = 32
W = M // NW
CHUNK = 16384
NCH = W // CHUNK
ROWS, COLS = 512, 8192
RBLK = 64
NLANES = 16
UNROLL = 16



GBATCH = 2
GSTEPS = 16 // GBATCH
GBLK = GBATCH * 512 * 512


def _stats_body(l_ref, t_ref, e_ref, s16_ref, max_ref, p_ref, msc_ref, psc_ref):
    i = pl.program_id(0)
    l = l_ref[...].reshape(GBATCH * 512, 512)
    t = t_ref[...].reshape(GBATCH * 512, 512)
    tf = t.astype(jnp.float32)
    e = 1.0 - l * (2.0 * tf - 1.0)
    ebits = lax.bitcast_convert_type(e, jnp.int32)
    epacked = lax.bitcast_convert_type(
        jnp.bitwise_or(jnp.bitwise_and(ebits, jnp.int32(-2)), t), jnp.float32)
    e_ref[...] = epacked.reshape(GBLK)
    bmax = jnp.max(epacked)
    bsum = jnp.sum(tf)

    @pl.when(i == 0)
    def _():
        msc_ref[0] = bmax
        psc_ref[0] = bsum

    @pl.when(i > 0)
    def _():
        msc_ref[0] = jnp.maximum(msc_ref[0], bmax)
        psc_ref[0] = psc_ref[0] + bsum

    @pl.when(i == GSTEPS - 1)
    def _():
        max_ref[0, 0] = msc_ref[0]
        p_ref[0, 0] = psc_ref[0]
        s16_ref[...] = jnp.full((NLANES,), msc_ref[0], jnp.float32)


def _stats(logits4d, targets4d):
    return pl.pallas_call(
        _stats_body,
        grid=(GSTEPS,),
        in_specs=[
            pl.BlockSpec((GBATCH, 1, 512, 512), lambda i: (i, 0, 0, 0)),
            pl.BlockSpec((GBATCH, 1, 512, 512), lambda i: (i, 0, 0, 0)),
        ],
        out_specs=[
            pl.BlockSpec((GBLK,), lambda i: (i,)),
            pl.BlockSpec((NLANES,), lambda i: (0,)),
            pl.BlockSpec(memory_space=pltpu.SMEM),
            pl.BlockSpec(memory_space=pltpu.SMEM),
        ],
        out_shape=[
            jax.ShapeDtypeStruct((M,), jnp.float32),
            jax.ShapeDtypeStruct((NLANES,), jnp.float32),
            jax.ShapeDtypeStruct((1, 1), jnp.float32),
            jax.ShapeDtypeStruct((1, 1), jnp.float32),
        ],
        scratch_shapes=[
            pltpu.SMEM((1,), jnp.float32),
            pltpu.SMEM((1,), jnp.float32),
        ],
    )(logits4d, targets4d)



_mesh = plsc.VectorSubcoreMesh(core_axis_name="c", subcore_axis_name="s")


@functools.partial(
    pl.kernel,
    mesh=_mesh,
    compiler_params=pltpu.CompilerParams(needs_layout_passes=False),
    out_type=jax.ShapeDtypeStruct((NW, 2 * B), jnp.float32),
    scratch_types=[
        pltpu.VMEM((CHUNK,), jnp.float32),
        pltpu.VMEM((CHUNK,), jnp.float32),
        pltpu.VMEM((NLANES,), jnp.float32),
        pltpu.VMEM((NLANES * (2 * B + NLANES),), jnp.float32),
        pltpu.VMEM((NLANES * (2 * B + NLANES),), jnp.float32),
        pltpu.VMEM((2 * B,), jnp.float32),
        pltpu.SemaphoreType.DMA,
        pltpu.SemaphoreType.DMA,
    ],
)
def _sc_hist(e_hbm, s_hbm, out_hbm, bufa, bufb, sbuf, hist, hist2, rhist,
             sema, semb):
    wid = lax.axis_index("s") * 2 + lax.axis_index("c")
    base = wid * W

    pltpu.sync_copy(s_hbm, sbuf)
    tmax = jnp.maximum(sbuf[...], 1e-30)
    invd = jnp.float32(B) / tmax
    lane = lax.broadcasted_iota(jnp.int32, (NLANES,), 0)
    lane_base = lane * (2 * B + NLANES) + lane
    ones = jnp.full((NLANES,), 1.0, jnp.float32)

    def zbody(i, _):
        hist[pl.ds(i * NLANES, NLANES)] = jnp.zeros((NLANES,), jnp.float32)
        hist2[pl.ds(i * NLANES, NLANES)] = jnp.zeros((NLANES,), jnp.float32)
        return ()

    lax.fori_loop(0, NLANES * (2 * B + NLANES) // NLANES, zbody, ())

    def process(buf):
        @plsc.parallel_loop(0, CHUNK // NLANES, step=2, unroll=UNROLL // 2)
        def _(i):
            for half, hh in ((0, hist), (1, hist2)):
                v = buf[pl.ds((i + half) * NLANES, NLANES)]
                ti = jnp.bitwise_and(plsc.bitcast(v, jnp.int32), 1)
                bi = (v * invd).astype(jnp.int32)
                idx = lane_base + ti * B + bi
                plsc.addupdate_scatter(hh, [idx], ones, mask=v > 0.0)

    def start(chunk, buf, sem):
        pltpu.async_copy(e_hbm.at[pl.ds(base + chunk * CHUNK, CHUNK)], buf, sem)

    def wait(chunk, buf, sem):
        pltpu.make_async_copy(
            e_hbm.at[pl.ds(base + chunk * CHUNK, CHUNK)], buf, sem).wait()

    start(0, bufa, sema)

    def chunk_body(h, _):
        ca = 2 * h
        start(ca + 1, bufb, semb)
        wait(ca, bufa, sema)
        process(bufa)
        start(jnp.minimum(ca + 2, NCH - 1), bufa, sema)
        wait(ca + 1, bufb, semb)
        process(bufb)
        return ()

    lax.fori_loop(0, NCH // 2, chunk_body, ())
    wait(NCH - 1, bufa, sema)

    def rbody(j, _):
        acc = jnp.zeros((NLANES,), jnp.float32)
        for ln in range(NLANES):
            off = ln * (2 * B + NLANES) + ln + j * NLANES
            acc = acc + hist[pl.ds(off, NLANES)] + hist2[pl.ds(off, NLANES)]
        rhist[pl.ds(j * NLANES, NLANES)] = acc
        return ()

    lax.fori_loop(0, 2 * B // NLANES, rbody, ())
    pltpu.sync_copy(rhist, out_hbm.at[wid])



BR, BC = 8, B // 8


def _suffix(h2, uc, ur):
    within = jnp.dot(h2, uc, precision=lax.Precision.HIGHEST,
                     preferred_element_type=jnp.float32)
    tot = jnp.sum(h2, axis=1, keepdims=True)
    later = jnp.dot(ur, tot, precision=lax.Precision.HIGHEST,
                    preferred_element_type=jnp.float32)
    return within + later


def _finish_body(h_ref, tmax_ref, p_ref, out_ref):
    h = h_ref[...]
    hp = jnp.sum(h[:, :B], axis=0).reshape(BR, BC)
    hn = jnp.sum(h[:, B:], axis=0).reshape(BR, BC)
    rj = lax.broadcasted_iota(jnp.int32, (BC, 1), 0)
    ck = lax.broadcasted_iota(jnp.int32, (1, BC), 1)
    uc = (rj >= ck).astype(jnp.float32)
    rr = lax.broadcasted_iota(jnp.int32, (BR, 1), 0)
    cr = lax.broadcasted_iota(jnp.int32, (1, BR), 1)
    ur = (cr > rr).astype(jnp.float32)
    sp = _suffix(hp, uc, ur)
    sn = _suffix(hn, uc, ur)
    p_tot = p_ref[0, 0]
    tmax = jnp.maximum(tmax_ref[0, 0], 1e-30)
    jac = 1.0 - (p_tot - sp) / jnp.maximum(p_tot + sn, 1.0)
    delta = tmax / jnp.float32(B)
    total = delta * (jnp.sum(jac) - 0.5 * jac[0, 0])
    out_ref[0, 0] = jnp.where(p_tot > 0.0, total, 0.0)


def _finish(hists, tmax, p_tot):
    return pl.pallas_call(
        _finish_body,
        in_specs=[
            pl.BlockSpec((NW, 2 * B), lambda: (0, 0)),
            pl.BlockSpec(memory_space=pltpu.SMEM),
            pl.BlockSpec(memory_space=pltpu.SMEM),
        ],
        out_specs=pl.BlockSpec(memory_space=pltpu.SMEM),
        out_shape=jax.ShapeDtypeStruct((1, 1), jnp.float32),
    )(hists, tmax, p_tot)



def kernel(inputs, targets):
    epacked, stats16, tmax, p_tot = _stats(inputs, targets)
    hists = _sc_hist(epacked, stats16)
    loss = _finish(hists, tmax, p_tot)
    return loss.reshape(())

# --- scband reference (transcript-rebuilt; emitter-appended) ---
"""Pipeline reference for scband-lovasz-hinge-loss-9242769621392 (READ-ONLY COPY).

The authoritative reference and input builder live on the scoring server;
editing this copy changes nothing except your own understanding.
"""

import jax, jax.numpy as jnp
import numpy as np


def setup_inputs(seed: int = 0) -> dict:
    key = jax.random.key(seed)
    k1, k2 = jax.random.split(key)
    inputs = jax.random.normal(k1, (16, 1, 512, 512), dtype=jnp.float32)
    targets = jax.random.randint(k2, (16, 1, 512, 512), 0, 2, dtype=jnp.int32)
    return {"inputs": inputs, "targets": targets}


def _lovasz_grad(gt_sorted):
    # Alg. 1 of the Lovasz-Softmax paper
    gts = gt_sorted.sum()
    intersection = gts - jnp.cumsum(gt_sorted)
    union = gts + jnp.cumsum(1.0 - gt_sorted)
    jaccard = 1.0 - intersection / union
    # jaccard[1:] = jaccard[1:] - jaccard[:-1]
    jaccard = jnp.concatenate([jaccard[:1], jaccard[1:] - jaccard[:-1]])
    return jaccard


def _lovasz_hinge_flat(logits, labels):
    # logits: [P] float, labels: [P] float in {0,1}
    signs = 2.0 * labels - 1.0
    errors = 1.0 - logits * signs
    # descending sort of errors; perm is detached (integer indices)
    perm = jnp.argsort(-errors)
    errors_sorted = errors[perm]
    gt_sorted = labels[perm]
    grad = _lovasz_grad(gt_sorted)
    # weight = 0 if there are no positive labels
    weight = jnp.where(labels.sum() == 0, 0.0, 1.0)
    loss = jnp.dot(jax.nn.relu(errors_sorted), grad) * weight
    return loss


def reference(inputs, targets):
    # forward: squeeze channel dim, flatten whole batch (per_image=False), lovasz hinge
    logits = jnp.squeeze(inputs, axis=1).reshape(-1)
    labels = jnp.squeeze(targets, axis=1).reshape(-1).astype(jnp.float32)
    return _lovasz_hinge_flat(logits, labels)

if __name__ == "__main__":
    import jax
    _d = setup_inputs()
    print(jax.jit(kernel)(*tuple(_d.values())))

</pallas_src>

<mosaic_0001>
#map = affine_map<(d0, d1) -> (0)>
#map1 = affine_map<(d0, d1) -> (0, 0)>
module attributes {stable_mosaic.version = 14 : i64} {
  func.func @_sc_hist(%arg0: i32, %arg1: i32, %arg2: memref<4194304xf32, #tpu.memory_space<hbm>>, %arg3: memref<16xf32, #tpu.memory_space<hbm>>, %arg4: memref<32x2048xf32, #tpu.memory_space<hbm>>, %arg5: memref<16384xf32, #tpu.memory_space<vmem>>, %arg6: memref<16384xf32, #tpu.memory_space<vmem>>, %arg7: memref<16xf32, #tpu.memory_space<vmem>>, %arg8: memref<33024xf32, #tpu.memory_space<vmem>>, %arg9: memref<33024xf32, #tpu.memory_space<vmem>>, %arg10: memref<2048xf32, #tpu.memory_space<vmem>>, %arg11: memref<!tpu.dma_semaphore, #tpu.memory_space<semaphore_mem>>, %arg12: memref<!tpu.dma_semaphore, #tpu.memory_space<semaphore_mem>>) attributes {dimension_semantics = [#tpu.dimension_semantics<core_parallel>, #tpu.dimension_semantics<subcore_parallel>], iteration_bounds = array<i64: 2, 16>, scalar_prefetch = 0 : i64, scratch_operands = 8 : i64, tpu.core_type = #tpu.core_type<sc_vector_subcore>, window_params = [{transform_indices = #map}, {transform_indices = #map}, {transform_indices = #map1}]} {
    %mul3A = arith.constant 2 : i32
    %mul3A_0 = arith.muli %arg1, %mul3A : i32
    %add3A = arith.addi %mul3A_0, %arg0 : i32
    %mul3A_1 = arith.constant 131072 : i32
    %mul3A_2 = arith.muli %add3A, %mul3A_1 : i32
    "tpu.region"() ({
      %run_scoped3A = tpu.sem_alloc : memref<!tpu.dma_semaphore, #tpu.memory_space<semaphore_mem>>
      tpu.enqueue_dma source(%arg3 : memref<16xf32, #tpu.memory_space<hbm>>) target(%arg7 : memref<16xf32, #tpu.memory_space<vmem>>) target_semaphore(%run_scoped3A : memref<!tpu.dma_semaphore, #tpu.memory_space<semaphore_mem>>)
      tpu.wait_dma2 semaphore(%run_scoped3A : memref<!tpu.dma_semaphore, #tpu.memory_space<semaphore_mem>>) src(%arg3 : memref<16xf32, #tpu.memory_space<hbm>>) dst(%arg7 : memref<16xf32, #tpu.memory_space<vmem>>)
      tpu.yield
    }) : () -> ()
    %get3A = arith.constant 0 : index
    %get3A_3 = tpu.vector_load %arg7[%get3A] {strides = array<i32>} : memref<16xf32, #tpu.memory_space<vmem>>, vector<16xf32>,
    %max3A = arith.constant 1.000000e-30 : f32
    %max3A_4 = vector.broadcast %max3A : f32 to vector<16xf32>
    %max3A_5 = arith.maximumf %get3A_3, %max3A_4 : vector<16xf32>
    %div3A = arith.constant 1.024000e+03 : f32
    %div3A_6 = vector.broadcast %div3A : f32 to vector<16xf32>
    %div3A_7 = arith.divf %div3A_6, %max3A_5 : vector<16xf32>
    %iota3A = tpu.iota {dimensions = array<i32: 0>} : vector<16xi32>
    %mul3A_8 = arith.constant 2064 : i32
    %mul3A_9 = vector.broadcast %mul3A_8 : i32 to vector<16xi32>
    %mul3A_10 = arith.muli %iota3A, %mul3A_9 : vector<16xi32>
    %add3A_11 = arith.addi %mul3A_10, %iota3A : vector<16xi32>
    %broadcast_in_dim3A = arith.constant 1.000000e+00 : f32
    %broadcast_in_dim3A_12 = vector.broadcast %broadcast_in_dim3A : f32 to vector<16xf32>
    %scan3A = arith.constant 0 : i32
    %scan3A_13 = arith.constant 2064 : i32
    %scan3A_14 = arith.addi %scan3A, %scan3A_13 : i32
    %scan3A_15 = arith.constant 1 : i32
    scf.for %scan3A_33 = %scan3A to %scan3A_14 step %scan3A_15  : i32 {
      %broadcast_in_dim3A_34 = arith.constant 0.000000e+00 : f32
      %broadcast_in_dim3A_35 = vector.broadcast %broadcast_in_dim3A_34 : f32 to vector<16xf32>
      %mul3A_36 = arith.constant 16 : i32
      %mul3A_37 = arith.muli %scan3A_33, %mul3A_36 : i32
      %swap3A = arith.index_cast %mul3A_37 : i32 to index
      %swap3A_38 = tpu.vector_load %arg8[%swap3A] {strides = array<i32>} : memref<33024xf32, #tpu.memory_space<vmem>>, vector<16xf32>,
      tpu.vector_store %arg8[%swap3A], %broadcast_in_dim3A_35 {strides = array<i32>} : memref<33024xf32, #tpu.memory_space<vmem>>, vector<16xf32>,
      %broadcast_in_dim3A_39 = arith.constant 0.000000e+00 : f32
      %broadcast_in_dim3A_40 = vector.broadcast %broadcast_in_dim3A_39 : f32 to vector<16xf32>
      %mul3A_41 = arith.constant 16 : i32
      %mul3A_42 = arith.muli %scan3A_33, %mul3A_41 : i32
      %swap3A_43 = arith.index_cast %mul3A_42 : i32 to index
      %swap3A_44 = tpu.vector_load %arg9[%swap3A_43] {strides = array<i32>} : memref<33024xf32, #tpu.memory_space<vmem>>, vector<16xf32>,
      tpu.vector_store %arg9[%swap3A_43], %broadcast_in_dim3A_40 {strides = array<i32>} : memref<33024xf32, #tpu.memory_space<vmem>>, vector<16xf32>,
    }
    %scan3A_16 = arith.constant 2064 : i32
    %add3A_17 = arith.constant 0 : i32
    %add3A_18 = arith.addi %mul3A_2, %add3A_17 : i32
    %dma_start3A = tpu.memref_slice %arg2[%add3A_18] : memref<4194304xf32, #tpu.memory_space<hbm>> -> memref<16384xf32, #tpu.memory_space<hbm>>
    %dma_start3A_19 = tpu.memref_slice %arg2[%add3A_18] : memref<4194304xf32, #tpu.memory_space<hbm>> -> memref<16384xf32, #tpu.memory_space<hbm>>
    tpu.enqueue_dma source(%dma_start3A_19 : memref<16384xf32, #tpu.memory_space<hbm>>) target(%arg5 : memref<16384xf32, #tpu.memory_space<vmem>>) target_semaphore(%arg11 : memref<!tpu.dma_semaphore, #tpu.memory_space<semaphore_mem>>)
    %scan3A_20 = arith.constant 0 : i32
    %scan3A_21 = arith.constant 4 : i32
    %scan3A_22 = arith.addi %scan3A_20, %scan3A_21 : i32
    %scan3A_23 = arith.constant 1 : i32
    scf.for %scan3A_33 = %scan3A_20 to %scan3A_22 step %scan3A_23  : i32 {
      %mul3A_34 = arith.constant 2 : i32
      %mul3A_35 = arith.muli %mul3A_34, %scan3A_33 : i32
      %add3A_36 = arith.constant 1 : i32
      %add3A_37 = arith.addi %mul3A_35, %add3A_36 : i32
      %mul3A_38 = arith.constant 16384 : i32
      %mul3A_39 = arith.muli %add3A_37, %mul3A_38 : i32
      %add3A_40 = arith.addi %mul3A_2, %mul3A_39 : i32
      %dma_start3A_41 = tpu.memref_slice %arg2[%add3A_40] : memref<4194304xf32, #tpu.memory_space<hbm>> -> memref<16384xf32, #tpu.memory_space<hbm>>
      %dma_start3A_42 = tpu.memref_slice %arg2[%add3A_40] : memref<4194304xf32, #tpu.memory_space<hbm>> -> memref<16384xf32, #tpu.memory_space<hbm>>
      tpu.enqueue_dma source(%dma_start3A_42 : memref<16384xf32, #tpu.memory_space<hbm>>) target(%arg6 : memref<16384xf32, #tpu.memory_space<vmem>>) target_semaphore(%arg12 : memref<!tpu.dma_semaphore, #tpu.memory_space<semaphore_mem>>)
      %mul3A_43 = arith.constant 16384 : i32
      %mul3A_44 = arith.muli %mul3A_35, %mul3A_43 : i32
      %add3A_45 = arith.addi %mul3A_2, %mul3A_44 : i32
      %dma_wait3A_46 = tpu.memref_slice %arg2[%add3A_45] : memref<4194304xf32, #tpu.memory_space<hbm>> -> memref<16384xf32, #tpu.memory_space<hbm>>
      %dma_wait3A_47 = tpu.memref_slice %arg2[%add3A_45] : memref<4194304xf32, #tpu.memory_space<hbm>> -> memref<16384xf32, #tpu.memory_space<hbm>>
      tpu.wait_dma2 semaphore(%arg11 : memref<!tpu.dma_semaphore, #tpu.memory_space<semaphore_mem>>) src(%dma_wait3A_47 : memref<16384xf32, #tpu.memory_space<hbm>>) dst(%arg5 : memref<16384xf32, #tpu.memory_space<vmem>>)
      %parallel_loop3A = arith.constant 0 : i32
      %parallel_loop3A_48 = arith.constant 1024 : i32
      %parallel_loop3A_49 = arith.constant 2 : i32
      scf.for %parallel_loop3A_68 = %parallel_loop3A to %parallel_loop3A_48 step %parallel_loop3A_49  : i32 {
        %parallel_loop3A_69 = arith.constant 0 : i32
        %parallel_loop3A_70 = arith.addi %parallel_loop3A_68, %parallel_loop3A_69 : i32
        %parallel_loop3A_71 = arith.constant 16 : i32
        %parallel_loop3A_72 = arith.muli %parallel_loop3A_70, %parallel_loop3A_71 : i32
        %parallel_loop3A_73 = arith.index_cast %parallel_loop3A_72 : i32 to index
        %parallel_loop3A_74 = tpu.vector_load %arg5[%parallel_loop3A_73] {strides = array<i32>} : memref<16384xf32, #tpu.memory_space<vmem>>, vector<16xf32>,
        %parallel_loop3A_75 = vector.bitcast %parallel_loop3A_74 : vector<16xf32> to vector<16xi32>
        %parallel_loop3A_76 = arith.constant 1 : i32
        %parallel_loop3A_77 = vector.broadcast %parallel_loop3A_76 : i32 to vector<16xi32>
        %parallel_loop3A_78 = arith.andi %parallel_loop3A_75, %parallel_loop3A_77 : vector<16xi32>
        %parallel_loop3A_79 = arith.mulf %parallel_loop3A_74, %div3A_7 : vector<16xf32>
        %parallel_loop3A_80 = arith.fptosi %parallel_loop3A_79 : vector<16xf32> to vector<16xi32>
        %parallel_loop3A_81 = arith.constant 1024 : i32
        %parallel_loop3A_82 = vector.broadcast %parallel_loop3A_81 : i32 to vector<16xi32>
        %parallel_loop3A_83 = arith.muli %parallel_loop3A_78, %parallel_loop3A_82 : vector<16xi32>
        %parallel_loop3A_84 = arith.addi %add3A_11, %parallel_loop3A_83 : vector<16xi32>
        %parallel_loop3A_85 = arith.addi %parallel_loop3A_84, %parallel_loop3A_80 : vector<16xi32>
        %parallel_loop3A_86 = arith.constant 0.000000e+00 : f32
        %parallel_loop3A_87 = vector.broadcast %parallel_loop3A_86 : f32 to vector<16xf32>
        %parallel_loop3A_88 = arith.cmpf ogt, %parallel_loop3A_74, %parallel_loop3A_87 : vector<16xf32>
        tpu.vector_store_idx %arg8[%parallel_loop3A_85], %broadcast_in_dim3A_12 masked %parallel_loop3A_88 {add = true} : memref<33024xf32, #tpu.memory_space<vmem>>[vector<16xi32>], vector<16xf32>, vector<16xi1>
        %parallel_loop3A_89 = arith.constant 1 : i32
        %parallel_loop3A_90 = arith.addi %parallel_loop3A_68, %parallel_loop3A_89 : i32
        %parallel_loop3A_91 = arith.constant 16 : i32
        %parallel_loop3A_92 = arith.muli %parallel_loop3A_90, %parallel_loop3A_91 : i32
        %parallel_loop3A_93 = arith.index_cast %parallel_loop3A_92 : i32 to index
        %parallel_loop3A_94 = tpu.vector_load %arg5[%parallel_loop3A_93] {strides = array<i32>} : memref<16384xf32, #tpu.memory_space<vmem>>, vector<16xf32>,
        %parallel_loop3A_95 = vector.bitcast %parallel_loop3A_94 : vector<16xf32> to vector<16xi32>
        %parallel_loop3A_96 = arith.constant 1 : i32
        %parallel_loop3A_97 = vector.broadcast %parallel_loop3A_96 : i32 to vector<16xi32>
        %parallel_loop3A_98 = arith.andi %parallel_loop3A_95, %parallel_loop3A_97 : vector<16xi32>
        %parallel_loop3A_99 = arith.mulf %parallel_loop3A_94, %div3A_7 : vector<16xf32>
        %parallel_loop3A_100 = arith.fptosi %parallel_loop3A_99 : vector<16xf32> to vector<16xi32>
        %parallel_loop3A_101 = arith.constant 1024 : i32
        %parallel_loop3A_102 = vector.broadcast %parallel_loop3A_101 : i32 to vector<16xi32>
        %parallel_loop3A_103 = arith.muli %parallel_loop3A_98, %parallel_loop3A_102 : vector<16xi32>
        %parallel_loop3A_104 = arith.addi %add3A_11, %parallel_loop3A_103 : vector<16xi32>
        %parallel_loop3A_105 = arith.addi %parallel_loop3A_104, %parallel_loop3A_100 : vector<16xi32>
        %parallel_loop3A_106 = arith.constant 0.000000e+00 : f32
        %parallel_loop3A_107 = vector.broadcast %parallel_loop3A_106 : f32 to vector<16xf32>
        %parallel_loop3A_108 = arith.cmpf ogt, %parallel_loop3A_94, %parallel_loop3A_107 : vector<16xf32>
        tpu.vector_store_idx %arg9[%parallel_loop3A_105], %broadcast_in_dim3A_12 masked %parallel_loop3A_108 {add = true} : memref<33024xf32, #tpu.memory_space<vmem>>[vector<16xi32>], vector<16xf32>, vector<16xi1>
      } {sc.loop_unroll_factor = 8 : i64, sc.parallel_access}
      %add3A_50 = arith.constant 2 : i32
      %add3A_51 = arith.addi %mul3A_35, %add3A_50 : i32
      %min3A = arith.constant 7 : i32
      %min3A_52 = arith.minsi %add3A_51, %min3A : i32
      %mul3A_53 = arith.constant 16384 : i32
      %mul3A_54 = arith.muli %min3A_52, %mul3A_53 : i32
      %add3A_55 = arith.addi %mul3A_2, %mul3A_54 : i32
      %dma_start3A_56 = tpu.memref_slice %arg2[%add3A_55] : memref<4194304xf32, #tpu.memory_space<hbm>> -> memref<16384xf32, #tpu.memory_space<hbm>>
      %dma_start3A_57 = tpu.memref_slice %arg2[%add3A_55] : memref<4194304xf32, #tpu.memory_space<hbm>> -> memref<16384xf32, #tpu.memory_space<hbm>>
      tpu.enqueue_dma source(%dma_start3A_57 : memref<16384xf32, #tpu.memory_space<hbm>>) target(%arg5 : memref<16384xf32, #tpu.memory_space<vmem>>) target_semaphore(%arg11 : memref<!tpu.dma_semaphore, #tpu.memory_space<semaphore_mem>>)
      %add3A_58 = arith.constant 1 : i32
      %add3A_59 = arith.addi %mul3A_35, %add3A_58 : i32
      %mul3A_60 = arith.constant 16384 : i32
      %mul3A_61 = arith.muli %add3A_59, %mul3A_60 : i32
      %add3A_62 = arith.addi %mul3A_2, %mul3A_61 : i32
      %dma_wait3A_63 = tpu.memref_slice %arg2[%add3A_62] : memref<4194304xf32, #tpu.memory_space<hbm>> -> memref<16384xf32, #tpu.memory_space<hbm>>
      %dma_wait3A_64 = tpu.memref_slice %arg2[%add3A_62] : memref<4194304xf32, #tpu.memory_space<hbm>> -> memref<16384xf32, #tpu.memory_space<hbm>>
      tpu.wait_dma2 semaphore(%arg12 : memref<!tpu.dma_semaphore, #tpu.memory_space<semaphore_mem>>) src(%dma_wait3A_64 : memref<16384xf32, #tpu.memory_space<hbm>>) dst(%arg6 : memref<16384xf32, #tpu.memory_space<vmem>>)
      %parallel_loop3A_65 = arith.constant 0 : i32
      %parallel_loop3A_66 = arith.constant 1024 : i32
      %parallel_loop3A_67 = arith.constant 2 : i32
      scf.for %parallel_loop3A_68 = %parallel_loop3A_65 to %parallel_loop3A_66 step %parallel_loop3A_67  : i32 {
        %parallel_loop3A_69 = arith.constant 0 : i32
        %parallel_loop3A_70 = arith.addi %parallel_loop3A_68, %parallel_loop3A_69 : i32
        %parallel_loop3A_71 = arith.constant 16 : i32
        %parallel_loop3A_72 = arith.muli %parallel_loop3A_70, %parallel_loop3A_71 : i32
        %parallel_loop3A_73 = arith.index_cast %parallel_loop3A_72 : i32 to index
        %parallel_loop3A_74 = tpu.vector_load %arg6[%parallel_loop3A_73] {strides = array<i32>} : memref<16384xf32, #tpu.memory_space<vmem>>, vector<16xf32>,
        %parallel_loop3A_75 = vector.bitcast %parallel_loop3A_74 : vector<16xf32> to vector<16xi32>
        %parallel_loop3A_76 = arith.constant 1 : i32
        %parallel_loop3A_77 = vector.broadcast %parallel_loop3A_76 : i32 to vector<16xi32>
        %parallel_loop3A_78 = arith.andi %parallel_loop3A_75, %parallel_loop3A_77 : vector<16xi32>
        %parallel_loop3A_79 = arith.mulf %parallel_loop3A_74, %div3A_7 : vector<16xf32>
        %parallel_loop3A_80 = arith.fptosi %parallel_loop3A_79 : vector<16xf32> to vector<16xi32>
        %parallel_loop3A_81 = arith.constant 1024 : i32
        %parallel_loop3A_82 = vector.broadcast %parallel_loop3A_81 : i32 to vector<16xi32>
        %parallel_loop3A_83 = arith.muli %parallel_loop3A_78, %parallel_loop3A_82 : vector<16xi32>
        %parallel_loop3A_84 = arith.addi %add3A_11, %parallel_loop3A_83 : vector<16xi32>
        %parallel_loop3A_85 = arith.addi %parallel_loop3A_84, %parallel_loop3A_80 : vector<16xi32>
        %parallel_loop3A_86 = arith.constant 0.000000e+00 : f32
        %parallel_loop3A_87 = vector.broadcast %parallel_loop3A_86 : f32 to vector<16xf32>
        %parallel_loop3A_88 = arith.cmpf ogt, %parallel_loop3A_74, %parallel_loop3A_87 : vector<16xf32>
        tpu.vector_store_idx %arg8[%parallel_loop3A_85], %broadcast_in_dim3A_12 masked %parallel_loop3A_88 {add = true} : memref<33024xf32, #tpu.memory_space<vmem>>[vector<16xi32>], vector<16xf32>, vector<16xi1>
        %parallel_loop3A_89 = arith.constant 1 : i32
        %parallel_loop3A_90 = arith.addi %parallel_loop3A_68, %parallel_loop3A_89 : i32
        %parallel_loop3A_91 = arith.constant 16 : i32
        %parallel_loop3A_92 = arith.muli %parallel_loop3A_90, %parallel_loop3A_91 : i32
        %parallel_loop3A_93 = arith.index_cast %parallel_loop3A_92 : i32 to index
        %parallel_loop3A_94 = tpu.vector_load %arg6[%parallel_loop3A_93] {strides = array<i32>} : memref<16384xf32, #tpu.memory_space<vmem>>, vector<16xf32>,
        %parallel_loop3A_95 = vector.bitcast %parallel_loop3A_94 : vector<16xf32> to vector<16xi32>
        %parallel_loop3A_96 = arith.constant 1 : i32
        %parallel_loop3A_97 = vector.broadcast %parallel_loop3A_96 : i32 to vector<16xi32>
        %parallel_loop3A_98 = arith.andi %parallel_loop3A_95, %parallel_loop3A_97 : vector<16xi32>
        %parallel_loop3A_99 = arith.mulf %parallel_loop3A_94, %div3A_7 : vector<16xf32>
        %parallel_loop3A_100 = arith.fptosi %parallel_loop3A_99 : vector<16xf32> to vector<16xi32>
        %parallel_loop3A_101 = arith.constant 1024 : i32
        %parallel_loop3A_102 = vector.broadcast %parallel_loop3A_101 : i32 to vector<16xi32>
        %parallel_loop3A_103 = arith.muli %parallel_loop3A_98, %parallel_loop3A_102 : vector<16xi32>
        %parallel_loop3A_104 = arith.addi %add3A_11, %parallel_loop3A_103 : vector<16xi32>
        %parallel_loop3A_105 = arith.addi %parallel_loop3A_104, %parallel_loop3A_100 : vector<16xi32>
        %parallel_loop3A_106 = arith.constant 0.000000e+00 : f32
        %parallel_loop3A_107 = vector.broadcast %parallel_loop3A_106 : f32 to vector<16xf32>
        %parallel_loop3A_108 = arith.cmpf ogt, %parallel_loop3A_94, %parallel_loop3A_107 : vector<16xf32>
        tpu.vector_store_idx %arg9[%parallel_loop3A_105], %broadcast_in_dim3A_12 masked %parallel_loop3A_108 {add = true} : memref<33024xf32, #tpu.memory_space<vmem>>[vector<16xi32>], vector<16xf32>, vector<16xi1>
      } {sc.loop_unroll_factor = 8 : i64, sc.parallel_access}
    }
    %scan3A_24 = arith.constant 4 : i32
    %add3A_25 = arith.constant 114688 : i32
    %add3A_26 = arith.addi %mul3A_2, %add3A_25 : i32
    %dma_wait3A = tpu.memref_slice %arg2[%add3A_26] : memref<4194304xf32, #tpu.memory_space<hbm>> -> memref<16384xf32, #tpu.memory_space<hbm>>
    %dma_wait3A_27 = tpu.memref_slice %arg2[%add3A_26] : memref<4194304xf32, #tpu.memory_space<hbm>> -> memref<16384xf32, #tpu.memory_space<hbm>>
    tpu.wait_dma2 semaphore(%arg11 : memref<!tpu.dma_semaphore, #tpu.memory_space<semaphore_mem>>) src(%dma_wait3A_27 : memref<16384xf32, #tpu.memory_space<hbm>>) dst(%arg5 : memref<16384xf32, #tpu.memory_space<vmem>>)
    %scan3A_28 = arith.constant 0 : i32
    %scan3A_29 = arith.constant 128 : i32
    %scan3A_30 = arith.addi %scan3A_28, %scan3A_29 : i32
    %scan3A_31 = arith.constant 1 : i32
    scf.for %scan3A_33 = %scan3A_28 to %scan3A_30 step %scan3A_31  : i32 {
      %broadcast_in_dim3A_34 = arith.constant 0.000000e+00 : f32
      %broadcast_in_dim3A_35 = vector.broadcast %broadcast_in_dim3A_34 : f32 to vector<16xf32>
      %mul3A_36 = arith.constant 16 : i32
      %mul3A_37 = arith.muli %scan3A_33, %mul3A_36 : i32
      %add3A_38 = arith.constant 0 : i32
      %add3A_39 = arith.addi %add3A_38, %mul3A_37 : i32
      %get3A_40 = arith.index_cast %add3A_39 : i32 to index
      %get3A_41 = tpu.vector_load %arg8[%get3A_40] {strides = array<i32>} : memref<33024xf32, #tpu.memory_space<vmem>>, vector<16xf32>,
      %add3A_42 = arith.addf %broadcast_in_dim3A_35, %get3A_41 : vector<16xf32>
      %get3A_43 = arith.index_cast %add3A_39 : i32 to index
      %get3A_44 = tpu.vector_load %arg9[%get3A_43] {strides = array<i32>} : memref<33024xf32, #tpu.memory_space<vmem>>, vector<16xf32>,
      %add3A_45 = arith.addf %add3A_42, %get3A_44 : vector<16xf32>
      %mul3A_46 = arith.constant 16 : i32
      %mul3A_47 = arith.muli %scan3A_33, %mul3A_46 : i32
      %add3A_48 = arith.constant 2065 : i32
      %add3A_49 = arith.addi %add3A_48, %mul3A_47 : i32
      %get3A_50 = arith.index_cast %add3A_49 : i32 to index
      %get3A_51 = tpu.vector_load %arg8[%get3A_50] {strides = array<i32>} : memref<33024xf32, #tpu.memory_space<vmem>>, vector<16xf32>,
      %add3A_52 = arith.addf %add3A_45, %get3A_51 : vector<16xf32>
      %get3A_53 = arith.index_cast %add3A_49 : i32 to index
      %get3A_54 = tpu.vector_load %arg9[%get3A_53] {strides = array<i32>} : memref<33024xf32, #tpu.memory_space<vmem>>, vector<16xf32>,
      %add3A_55 = arith.addf %add3A_52, %get3A_54 : vector<16xf32>
      %mul3A_56 = arith.constant 16 : i32
      %mul3A_57 = arith.muli %scan3A_33, %mul3A_56 : i32
      %add3A_58 = arith.constant 4130 : i32
      %add3A_59 = arith.addi %add3A_58, %mul3A_57 : i32
      %get3A_60 = arith.index_cast %add3A_59 : i32 to index
      %get3A_61 = tpu.vector_load %arg8[%get3A_60] {strides = array<i32>} : memref<33024xf32, #tpu.memory_space<vmem>>, vector<16xf32>,
      %add3A_62 = arith.addf %add3A_55, %get3A_61 : vector<16xf32>
      %get3A_63 = arith.index_cast %add3A_59 : i32 to index
      %get3A_64 = tpu.vector_load %arg9[%get3A_63] {strides = array<i32>} : memref<33024xf32, #tpu.memory_space<vmem>>, vector<16xf32>,
      %add3A_65 = arith.addf %add3A_62, %get3A_64 : vector<16xf32>
      %mul3A_66 = arith.constant 16 : i32
      %mul3A_67 = arith.muli %scan3A_33, %mul3A_66 : i32
      %add3A_68 = arith.constant 6195 : i32
      %add3A_69 = arith.addi %add3A_68, %mul3A_67 : i32
      %get3A_70 = arith.index_cast %add3A_69 : i32 to index
      %get3A_71 = tpu.vector_load %arg8[%get3A_70] {strides = array<i32>} : memref<33024xf32, #tpu.memory_space<vmem>>, vector<16xf32>,
      %add3A_72 = arith.addf %add3A_65, %get3A_71 : vector<16xf32>
      %get3A_73 = arith.index_cast %add3A_69 : i32 to index
      %get3A_74 = tpu.vector_load %arg9[%get3A_73] {strides = array<i32>} : memref<33024xf32, #tpu.memory_space<vmem>>, vector<16xf32>,
      %add3A_75 = arith.addf %add3A_72, %get3A_74 : vector<16xf32>
      %mul3A_76 = arith.constant 16 : i32
      %mul3A_77 = arith.muli %scan3A_33, %mul3A_76 : i32
      %add3A_78 = arith.constant 8260 : i32
      %add3A_79 = arith.addi %add3A_78, %mul3A_77 : i32
      %get3A_80 = arith.index_cast %add3A_79 : i32 to index
      %get3A_81 = tpu.vector_load %arg8[%get3A_80] {strides = array<i32>} : memref<33024xf32, #tpu.memory_space<vmem>>, vector<16xf32>,
      %add3A_82 = arith.addf %add3A_75, %get3A_81 : vector<16xf32>
      %get3A_83 = arith.index_cast %add3A_79 : i32 to index
      %get3A_84 = tpu.vector_load %arg9[%get3A_83] {strides = array<i32>} : memref<33024xf32, #tpu.memory_space<vmem>>, vector<16xf32>,
      %add3A_85 = arith.addf %add3A_82, %get3A_84 : vector<16xf32>
      %mul3A_86 = arith.constant 16 : i32
      %mul3A_87 = arith.muli %scan3A_33, %mul3A_86 : i32
      %add3A_88 = arith.constant 10325 : i32
      %add3A_89 = arith.addi %add3A_88, %mul3A_87 : i32
      %get3A_90 = arith.index_cast %add3A_89 : i32 to index
      %get3A_91 = tpu.vector_load %arg8[%get3A_90] {strides = array<i32>} : memref<33024xf32, #tpu.memory_space<vmem>>, vector<16xf32>,
      %add3A_92 = arith.addf %add3A_85, %get3A_91 : vector<16xf32>
      %get3A_93 = arith.index_cast %add3A_89 : i32 to index
      %get3A_94 = tpu.vector_load %arg9[%get3A_93] {strides = array<i32>} : memref<33024xf32, #tpu.memory_space<vmem>>, vector<16xf32>,
      %add3A_95 = arith.addf %add3A_92, %get3A_94 : vector<16xf32>
      %mul3A_96 = arith.constant 16 : i32
      %mul3A_97 = arith.muli %scan3A_33, %mul3A_96 : i32
      %add3A_98 = arith.constant 12390 : i32
      %add3A_99 = arith.addi %add3A_98, %mul3A_97 : i32
      %get3A_100 = arith.index_cast %add3A_99 : i32 to index
      %get3A_101 = tpu.vector_load %arg8[%get3A_100] {strides = array<i32>} : memref<33024xf32, #tpu.memory_space<vmem>>, vector<16xf32>,
      %add3A_102 = arith.addf %add3A_95, %get3A_101 : vector<16xf32>
      %get3A_103 = arith.index_cast %add3A_99 : i32 to index
      %get3A_104 = tpu.vector_load %arg9[%get3A_103] {strides = array<i32>} : memref<33024xf32, #tpu.memory_space<vmem>>, vector<16xf32>,
      %add3A_105 = arith.addf %add3A_102, %get3A_104 : vector<16xf32>
      %mul3A_106 = arith.constant 16 : i32
      %mul3A_107 = arith.muli %scan3A_33, %mul3A_106 : i32
      %add3A_108 = arith.constant 14455 : i32
      %add3A_109 = arith.addi %add3A_108, %mul3A_107 : i32
      %get3A_110 = arith.index_cast %add3A_109 : i32 to index
      %get3A_111 = tpu.vector_load %arg8[%get3A_110] {strides = array<i32>} : memref<33024xf32, #tpu.memory_space<vmem>>, vector<16xf32>,
      %add3A_112 = arith.addf %add3A_105, %get3A_111 : vector<16xf32>
      %get3A_113 = arith.index_cast %add3A_109 : i32 to index
      %get3A_114 = tpu.vector_load %arg9[%get3A_113] {strides = array<i32>} : memref<33024xf32, #tpu.memory_space<vmem>>, vector<16xf32>,
      %add3A_115 = arith.addf %add3A_112, %get3A_114 : vector<16xf32>
      %mul3A_116 = arith.constant 16 : i32
      %mul3A_117 = arith.muli %scan3A_33, %mul3A_116 : i32
      %add3A_118 = arith.constant 16520 : i32
      %add3A_119 = arith.addi %add3A_118, %mul3A_117 : i32
      %get3A_120 = arith.index_cast %add3A_119 : i32 to index
      %get3A_121 = tpu.vector_load %arg8[%get3A_120] {strides = array<i32>} : memref<33024xf32, #tpu.memory_space<vmem>>, vector<16xf32>,
      %add3A_122 = arith.addf %add3A_115, %get3A_121 : vector<16xf32>
      %get3A_123 = arith.index_cast %add3A_119 : i32 to index
      %get3A_124 = tpu.vector_load %arg9[%get3A_123] {strides = array<i32>} : memref<33024xf32, #tpu.memory_space<vmem>>, vector<16xf32>,
      %add3A_125 = arith.addf %add3A_122, %get3A_124 : vector<16xf32>
      %mul3A_126 = arith.constant 16 : i32
      %mul3A_127 = arith.muli %scan3A_33, %mul3A_126 : i32
      %add3A_128 = arith.constant 18585 : i32
      %add3A_129 = arith.addi %add3A_128, %mul3A_127 : i32
      %get3A_130 = arith.index_cast %add3A_129 : i32 to index
      %get3A_131 = tpu.vector_load %arg8[%get3A_130] {strides = array<i32>} : memref<33024xf32, #tpu.memory_space<vmem>>, vector<16xf32>,
      %add3A_132 = arith.addf %add3A_125, %get3A_131 : vector<16xf32>
      %get3A_133 = arith.index_cast %add3A_129 : i32 to index
      %get3A_134 = tpu.vector_load %arg9[%get3A_133] {strides = array<i32>} : memref<33024xf32, #tpu.memory_space<vmem>>, vector<16xf32>,
      %add3A_135 = arith.addf %add3A_132, %get3A_134 : vector<16xf32>
      %mul3A_136 = arith.constant 16 : i32
      %mul3A_137 = arith.muli %scan3A_33, %mul3A_136 : i32
      %add3A_138 = arith.constant 20650 : i32
      %add3A_139 = arith.addi %add3A_138, %mul3A_137 : i32
      %get3A_140 = arith.index_cast %add3A_139 : i32 to index
      %get3A_141 = tpu.vector_load %arg8[%get3A_140] {strides = array<i32>} : memref<33024xf32, #tpu.memory_space<vmem>>, vector<16xf32>,
      %add3A_142 = arith.addf %add3A_135, %get3A_141 : vector<16xf32>
      %get3A_143 = arith.index_cast %add3A_139 : i32 to index
      %get3A_144 = tpu.vector_load %arg9[%get3A_143] {strides = array<i32>} : memref<33024xf32, #tpu.memory_space<vmem>>, vector<16xf32>,
      %add3A_145 = arith.addf %add3A_142, %get3A_144 : vector<16xf32>
      %mul3A_146 = arith.constant 16 : i32
      %mul3A_147 = arith.muli %scan3A_33, %mul3A_146 : i32
      %add3A_148 = arith.constant 22715 : i32
      %add3A_149 = arith.addi %add3A_148, %mul3A_147 : i32
      %get3A_150 = arith.index_cast %add3A_149 : i32 to index
      %get3A_151 = tpu.vector_load %arg8[%get3A_150] {strides = array<i32>} : memref<33024xf32, #tpu.memory_space<vmem>>, vector<16xf32>,
      %add3A_152 = arith.addf %add3A_145, %get3A_151 : vector<16xf32>
      %get3A_153 = arith.index_cast %add3A_149 : i32 to index
      %get3A_154 = tpu.vector_load %arg9[%get3A_153] {strides = array<i32>} : memref<33024xf32, #tpu.memory_space<vmem>>, vector<16xf32>,
      %add3A_155 = arith.addf %add3A_152, %get3A_154 : vector<16xf32>
      %mul3A_156 = arith.constant 16 : i32
      %mul3A_157 = arith.muli %scan3A_33, %mul3A_156 : i32
      %add3A_158 = arith.constant 24780 : i32
      %add3A_159 = arith.addi %add3A_158, %mul3A_157 : i32
      %get3A_160 = arith.index_cast %add3A_159 : i32 to index
      %get3A_161 = tpu.vector_load %arg8[%get3A_160] {strides = array<i32>} : memref<33024xf32, #tpu.memory_space<vmem>>, vector<16xf32>,
      %add3A_162 = arith.addf %add3A_155, %get3A_161 : vector<16xf32>
      %get3A_163 = arith.index_cast %add3A_159 : i32 to index
      %get3A_164 = tpu.vector_load %arg9[%get3A_163] {strides = array<i32>} : memref<33024xf32, #tpu.memory_space<vmem>>, vector<16xf32>,
      %add3A_165 = arith.addf %add3A_162, %get3A_164 : vector<16xf32>
      %mul3A_166 = arith.constant 16 : i32
      %mul3A_167 = arith.muli %scan3A_33, %mul3A_166 : i32
      %add3A_168 = arith.constant 26845 : i32
      %add3A_169 = arith.addi %add3A_168, %mul3A_167 : i32
      %get3A_170 = arith.index_cast %add3A_169 : i32 to index
      %get3A_171 = tpu.vector_load %arg8[%get3A_170] {strides = array<i32>} : memref<33024xf32, #tpu.memory_space<vmem>>, vector<16xf32>,
      %add3A_172 = arith.addf %add3A_165, %get3A_171 : vector<16xf32>
      %get3A_173 = arith.index_cast %add3A_169 : i32 to index
      %get3A_174 = tpu.vector_load %arg9[%get3A_173] {strides = array<i32>} : memref<33024xf32, #tpu.memory_space<vmem>>, vector<16xf32>,
      %add3A_175 = arith.addf %add3A_172, %get3A_174 : vector<16xf32>
      %mul3A_176 = arith.constant 16 : i32
      %mul3A_177 = arith.muli %scan3A_33, %mul3A_176 : i32
      %add3A_178 = arith.constant 28910 : i32
      %add3A_179 = arith.addi %add3A_178, %mul3A_177 : i32
      %get3A_180 = arith.index_cast %add3A_179 : i32 to index
      %get3A_181 = tpu.vector_load %arg8[%get3A_180] {strides = array<i32>} : memref<33024xf32, #tpu.memory_space<vmem>>, vector<16xf32>,
      %add3A_182 = arith.addf %add3A_175, %get3A_181 : vector<16xf32>
      %get3A_183 = arith.index_cast %add3A_179 : i32 to index
      %get3A_184 = tpu.vector_load %arg9[%get3A_183] {strides = array<i32>} : memref<33024xf32, #tpu.memory_space<vmem>>, vector<16xf32>,
      %add3A_185 = arith.addf %add3A_182, %get3A_184 : vector<16xf32>
      %mul3A_186 = arith.constant 16 : i32
      %mul3A_187 = arith.muli %scan3A_33, %mul3A_186 : i32
      %add3A_188 = arith.constant 30975 : i32
      %add3A_189 = arith.addi %add3A_188, %mul3A_187 : i32
      %get3A_190 = arith.index_cast %add3A_189 : i32 to index
      %get3A_191 = tpu.vector_load %arg8[%get3A_190] {strides = array<i32>} : memref<33024xf32, #tpu.memory_space<vmem>>, vector<16xf32>,
      %add3A_192 = arith.addf %add3A_185, %get3A_191 : vector<16xf32>
      %get3A_193 = arith.index_cast %add3A_189 : i32 to index
      %get3A_194 = tpu.vector_load %arg9[%get3A_193] {strides = array<i32>} : memref<33024xf32, #tpu.memory_space<vmem>>, vector<16xf32>,
      %add3A_195 = arith.addf %add3A_192, %get3A_194 : vector<16xf32>
      %mul3A_196 = arith.constant 16 : i32
      %mul3A_197 = arith.muli %scan3A_33, %mul3A_196 : i32
      %swap3A = arith.index_cast %mul3A_197 : i32 to index
      %swap3A_198 = tpu.vector_load %arg10[%swap3A] {strides = array<i32>} : memref<2048xf32, #tpu.memory_space<vmem>>, vector<16xf32>,
      tpu.vector_store %arg10[%swap3A], %add3A_195 {strides = array<i32>} : memref<2048xf32, #tpu.memory_space<vmem>>, vector<16xf32>,
    }
    %scan3A_32 = arith.constant 128 : i32
    "tpu.region"() ({
      %run_scoped3A = tpu.sem_alloc : memref<!tpu.dma_semaphore, #tpu.memory_space<semaphore_mem>>
      %dma_start3A_33 = arith.constant 0 : i32
      %dma_start3A_34 = tpu.memref_slice %arg4[%add3A, %dma_start3A_33] : memref<32x2048xf32, #tpu.memory_space<hbm>> -> memref<1x2048xf32, #tpu.memory_space<hbm>>
      %dma_start3A_35 = tpu.memref_squeeze %dma_start3A_34 : memref<1x2048xf32, #tpu.memory_space<hbm>> -> memref<2048xf32, #tpu.memory_space<hbm>>
      %dma_start3A_36 = arith.constant 0 : i32
      %dma_start3A_37 = tpu.memref_slice %arg4[%add3A, %dma_start3A_36] : memref<32x2048xf32, #tpu.memory_space<hbm>> -> memref<1x2048xf32, #tpu.memory_space<hbm>>
      %dma_start3A_38 = tpu.memref_squeeze %dma_start3A_37 : memref<1x2048xf32, #tpu.memory_space<hbm>> -> memref<2048xf32, #tpu.memory_space<hbm>>
      tpu.enqueue_dma source(%arg10 : memref<2048xf32, #tpu.memory_space<vmem>>) target(%dma_start3A_38 : memref<2048xf32, #tpu.memory_space<hbm>>) target_semaphore(%run_scoped3A : memref<!tpu.dma_semaphore, #tpu.memory_space<semaphore_mem>>)
      %dma_wait3A_39 = arith.constant 0 : i32
      %dma_wait3A_40 = tpu.memref_slice %arg4[%add3A, %dma_wait3A_39] : memref<32x2048xf32, #tpu.memory_space<hbm>> -> memref<1x2048xf32, #tpu.memory_space<hbm>>
      %dma_wait3A_41 = tpu.memref_squeeze %dma_wait3A_40 : memref<1x2048xf32, #tpu.memory_space<hbm>> -> memref<2048xf32, #tpu.memory_space<hbm>>
      %dma_wait3A_42 = arith.constant 0 : i32
      %dma_wait3A_43 = tpu.memref_slice %arg4[%add3A, %dma_wait3A_42] : memref<32x2048xf32, #tpu.memory_space<hbm>> -> memref<1x2048xf32, #tpu.memory_space<hbm>>
      %dma_wait3A_44 = tpu.memref_squeeze %dma_wait3A_43 : memref<1x2048xf32, #tpu.memory_space<hbm>> -> memref<2048xf32, #tpu.memory_space<hbm>>
      tpu.wait_dma2 semaphore(%run_scoped3A : memref<!tpu.dma_semaphore, #tpu.memory_space<semaphore_mem>>) src(%arg10 : memref<2048xf32, #tpu.memory_space<vmem>>) dst(%dma_wait3A_44 : memref<2048xf32, #tpu.memory_space<hbm>>)
      tpu.yield
    }) : () -> ()
    return
  }
}

module attributes {stable_mosaic.version = 14 : i64} {
  func.func @_stats_body(%arg0: i32, %arg1: memref<2x1x512x512xf32, #tpu.memory_space<vmem>>, %arg2: memref<2x1x512x512xi32, #tpu.memory_space<vmem>>, %arg3: memref<524288xf32, #tpu.memory_space<vmem>>, %arg4: memref<16xf32, #tpu.memory_space<vmem>>, %arg5: memref<1x1xf32, #tpu.memory_space<smem>>, %arg6: memref<1x1xf32, #tpu.memory_space<smem>>, %arg7: memref<1xf32, #tpu.memory_space<smem>>, %arg8: memref<1xf32, #tpu.memory_space<smem>>) attributes {dimension_semantics = [#tpu.dimension_semantics<arbitrary>], iteration_bounds = array<i64: 8>, scalar_prefetch = 0 : i64, scratch_operands = 2 : i64, tpu.core_type = #tpu.core_type<tc>, window_params = [{transform_indices = @transform_0, window_bounds = array<i64: 2, 1, 512, 512>}, {transform_indices = @transform_1, window_bounds = array<i64: 2, 1, 512, 512>}, {transform_indices = @transform_2, window_bounds = array<i64: 524288>}, {pipeline_mode = #tpu.pipeline_mode<synchronous>, transform_indices = @transform_3, window_bounds = array<i64: 16>}, {transform_indices = @transform_4, window_bounds = array<i64: 1, 1>}, {transform_indices = @transform_5, window_bounds = array<i64: 1, 1>}]} {
    %get3A = arith.constant 0 : index
    %get3A_0 = arith.constant 0 : index
    %get3A_1 = arith.constant 0 : index
    %get3A_2 = arith.constant 0 : index
    %get3A_3 = vector.load %arg1[%get3A, %get3A_0, %get3A_1, %get3A_2] : memref<2x1x512x512xf32, #tpu.memory_space<vmem>>, vector<2x1x512x512xf32>
    %reshape3A = vector.shape_cast %get3A_3 : vector<2x1x512x512xf32> to vector<1024x512xf32>
    %get3A_4 = arith.constant 0 : index
    %get3A_5 = arith.constant 0 : index
    %get3A_6 = arith.constant 0 : index
    %get3A_7 = arith.constant 0 : index
    %get3A_8 = vector.load %arg2[%get3A_4, %get3A_5, %get3A_6, %get3A_7] : memref<2x1x512x512xi32, #tpu.memory_space<vmem>>, vector<2x1x512x512xi32>
    %reshape3A_9 = vector.shape_cast %get3A_8 : vector<2x1x512x512xi32> to vector<1024x512xi32>
    %convert_element_type3A = arith.sitofp %reshape3A_9 : vector<1024x512xi32> to vector<1024x512xf32>
    %mul3A = arith.constant 2.000000e+00 : f32
    %mul3A_10 = vector.broadcast %mul3A : f32 to vector<1024x512xf32>
    %mul3A_11 = arith.mulf %mul3A_10, %convert_element_type3A : vector<1024x512xf32>
    %sub3A = arith.constant 1.000000e+00 : f32
    %sub3A_12 = vector.broadcast %sub3A : f32 to vector<1024x512xf32>
    %sub3A_13 = arith.subf %mul3A_11, %sub3A_12 : vector<1024x512xf32>
    %mul3A_14 = arith.mulf %reshape3A, %sub3A_13 : vector<1024x512xf32>
    %sub3A_15 = arith.constant 1.000000e+00 : f32
    %sub3A_16 = vector.broadcast %sub3A_15 : f32 to vector<1024x512xf32>
    %sub3A_17 = arith.subf %sub3A_16, %mul3A_14 : vector<1024x512xf32>
    %bitcast_convert_type3A = tpu.bitcast %sub3A_17 : vector<1024x512xf32> -> vector<1024x512xi32>
    %and3A = arith.constant -2 : i32
    %and3A_18 = vector.broadcast %and3A : i32 to vector<1024x512xi32>
    %and3A_19 = arith.andi %bitcast_convert_type3A, %and3A_18 : vector<1024x512xi32>
    %or3A = arith.ori %and3A_19, %reshape3A_9 : vector<1024x512xi32>
    %bitcast_convert_type3A_20 = tpu.bitcast %or3A : vector<1024x512xi32> -> vector<1024x512xf32>
    %reshape3A_21 = vector.shape_cast %bitcast_convert_type3A_20 : vector<1024x512xf32> to vector<524288xf32>
    %swap3A = arith.constant 0 : index
    %swap3A_22 = vector.load %arg3[%swap3A] : memref<524288xf32, #tpu.memory_space<vmem>>, vector<524288xf32>
    tpu.vector_store %arg3[%swap3A], %reshape3A_21 {strides = array<i32>} : memref<524288xf32, #tpu.memory_space<vmem>>, vector<524288xf32>,
    %reduce_max3A = vector.shape_cast %bitcast_convert_type3A_20 : vector<1024x512xf32> to vector<1x1024x512xf32>
    %reduce_max3A_23 = arith.constant dense<0xFF800000> : vector<1xf32>
    %reduce_max3A_24 = vector.multi_reduction <maximumf>, %reduce_max3A, %reduce_max3A_23 [1, 2] : vector<1x1024x512xf32> to vector<1xf32>
    %reduce_max3A_25 = vector.shape_cast %reduce_max3A_24 : vector<1xf32> to vector<1x1x1xf32>
    %reduce_max3A_26 = vector.extract %reduce_max3A_25[0, 0, 0] : f32 from vector<1x1x1xf32>
    %reduce_sum3A = vector.shape_cast %convert_element_type3A : vector<1024x512xf32> to vector<1x1024x512xf32>
    %reduce_sum3A_27 = arith.constant dense<0.000000e+00> : vector<1xf32>
    %reduce_sum3A_28 = vector.multi_reduction <add>, %reduce_sum3A, %reduce_sum3A_27 [1, 2] : vector<1x1024x512xf32> to vector<1xf32>
    %reduce_sum3A_29 = vector.shape_cast %reduce_sum3A_28 : vector<1xf32> to vector<1x1x1xf32>
    %reduce_sum3A_30 = vector.extract %reduce_sum3A_29[0, 0, 0] : f32 from vector<1x1x1xf32>
    %eq3A = arith.constant 0 : i32
    %eq3A_31 = arith.cmpi eq, %arg0, %eq3A : i32
    %convert_element_type3A_32 = arith.extui %eq3A_31 : i1 to i32
    %cond3A = arith.constant 0 : i32
    %cond3A_33 = arith.cmpi ne, %convert_element_type3A_32, %cond3A : i32
    scf.if %cond3A_33 {
      %swap3A_43 = arith.constant 0 : index
      %swap3A_44 = memref.load %arg7[%swap3A_43] : memref<1xf32, #tpu.memory_space<smem>>
      memref.store %reduce_max3A_26, %arg7[%swap3A_43] : memref<1xf32, #tpu.memory_space<smem>>
      %swap3A_45 = arith.constant 0 : index
      %swap3A_46 = memref.load %arg8[%swap3A_45] : memref<1xf32, #tpu.memory_space<smem>>
      memref.store %reduce_sum3A_30, %arg8[%swap3A_45] : memref<1xf32, #tpu.memory_space<smem>>
    } else {
    }
    %gt3A = arith.constant 0 : i32
    %gt3A_34 = arith.cmpi sgt, %arg0, %gt3A : i32
    %convert_element_type3A_35 = arith.extui %gt3A_34 : i1 to i32
    %cond3A_36 = arith.constant 0 : i32
    %cond3A_37 = arith.cmpi ne, %convert_element_type3A_35, %cond3A_36 : i32
    scf.if %cond3A_37 {
      %get3A_43 = arith.constant 0 : index
      %get3A_44 = memref.load %arg7[%get3A_43] : memref<1xf32, #tpu.memory_space<smem>>
      %max3A = arith.maximumf %get3A_44, %reduce_max3A_26 : f32
      %swap3A_45 = arith.constant 0 : index
      %swap3A_46 = memref.load %arg7[%swap3A_45] : memref<1xf32, #tpu.memory_space<smem>>
      memref.store %max3A, %arg7[%swap3A_45] : memref<1xf32, #tpu.memory_space<smem>>
      %get3A_47 = arith.constant 0 : index
      %get3A_48 = memref.load %arg8[%get3A_47] : memref<1xf32, #tpu.memory_space<smem>>
      %add3A = arith.addf %get3A_48, %reduce_sum3A_30 : f32
      %swap3A_49 = arith.constant 0 : index
      %swap3A_50 = memref.load %arg8[%swap3A_49] : memref<1xf32, #tpu.memory_space<smem>>
      memref.store %add3A, %arg8[%swap3A_49] : memref<1xf32, #tpu.memory_space<smem>>
    } else {
    }
    %eq3A_38 = arith.constant 7 : i32
    %eq3A_39 = arith.cmpi eq, %arg0, %eq3A_38 : i32
    %convert_element_type3A_40 = arith.extui %eq3A_39 : i1 to i32
    %cond3A_41 = arith.constant 0 : i32
    %cond3A_42 = arith.cmpi ne, %convert_element_type3A_40, %cond3A_41 : i32
    scf.if %cond3A_42 {
      %get3A_43 = arith.constant 0 : index
      %get3A_44 = memref.load %arg7[%get3A_43] : memref<1xf32, #tpu.memory_space<smem>>
      %swap3A_45 = arith.constant 0 : index
      %swap3A_46 = arith.constant 0 : index
      %swap3A_47 = memref.load %arg5[%swap3A_45, %swap3A_46] : memref<1x1xf32, #tpu.memory_space<smem>>
      memref.store %get3A_44, %arg5[%swap3A_45, %swap3A_46] : memref<1x1xf32, #tpu.memory_space<smem>>
      %get3A_48 = arith.constant 0 : index
      %get3A_49 = memref.load %arg8[%get3A_48] : memref<1xf32, #tpu.memory_space<smem>>
      %swap3A_50 = arith.constant 0 : index
      %swap3A_51 = arith.constant 0 : index
      %swap3A_52 = memref.load %arg6[%swap3A_50, %swap3A_51] : memref<1x1xf32, #tpu.memory_space<smem>>
      memref.store %get3A_49, %arg6[%swap3A_50, %swap3A_51] : memref<1x1xf32, #tpu.memory_space<smem>>
      %get3A_53 = arith.constant 0 : index
      %get3A_54 = memref.load %arg7[%get3A_53] : memref<1xf32, #tpu.memory_space<smem>>
      %broadcast_in_dim3A = vector.broadcast %get3A_54 : f32 to vector<16xf32>
      %swap3A_55 = arith.constant 0 : index
      %swap3A_56 = vector.load %arg4[%swap3A_55] : memref<16xf32, #tpu.memory_space<vmem>>, vector<16xf32>
      tpu.vector_store %arg4[%swap3A_55], %broadcast_in_dim3A {strides = array<i32>} : memref<16xf32, #tpu.memory_space<vmem>>, vector<16xf32>,
    } else {
    }
    return
  }
  func.func @transform_0(%arg0: i32) -> (i32, i32, i32, i32) {
    %c0_i32 = arith.constant 0 : i32
    %c0_i32_0 = arith.constant 0 : i32
    %c0_i32_1 = arith.constant 0 : i32
    %c0_i32_2 = arith.constant 0 : i32
    return %arg0, %c0_i32, %c0_i32_0, %c0_i32_1 : i32, i32, i32, i32
  }
  func.func @transform_1(%arg0: i32) -> (i32, i32, i32, i32) {
    %c0_i32 = arith.constant 0 : i32
    %c0_i32_0 = arith.constant 0 : i32
    %c0_i32_1 = arith.constant 0 : i32
    %c0_i32_2 = arith.constant 0 : i32
    return %arg0, %c0_i32, %c0_i32_0, %c0_i32_1 : i32, i32, i32, i32
  }
  func.func @transform_2(%arg0: i32) -> i32 {
    %c0_i32 = arith.constant 0 : i32
    return %arg0 : i32
  }
  func.func @transform_3(%arg0: i32) -> i32 {
    %c0_i32 = arith.constant 0 : i32
    %c0_i32_0 = arith.constant 0 : i32
    return %c0_i32 : i32
  }
  func.func @transform_4(%arg0: i32) -> (i32, i32) {
    %c0_i32 = arith.constant 0 : i32
    %c0_i32_0 = arith.constant 0 : i32
    %c0_i32_1 = arith.constant 0 : i32
    return %c0_i32, %c0_i32_0 : i32, i32
  }
  func.func @transform_5(%arg0: i32) -> (i32, i32) {
    %c0_i32 = arith.constant 0 : i32
    %c0_i32_0 = arith.constant 0 : i32
    %c0_i32_1 = arith.constant 0 : i32
    return %c0_i32, %c0_i32_0 : i32, i32
  }
}

module attributes {stable_mosaic.version = 14 : i64} {
  func.func @_finish_body(%arg0: memref<32x2048xf32, #tpu.memory_space<vmem>>, %arg1: memref<1x1xf32, #tpu.memory_space<smem>>, %arg2: memref<1x1xf32, #tpu.memory_space<smem>>, %arg3: memref<1x1xf32, #tpu.memory_space<smem>>) attributes {dimension_semantics = [], scalar_prefetch = 0 : i64, scratch_operands = 0 : i64, tpu.core_type = #tpu.core_type<tc>} {
    %get3A = arith.constant 0 : index
    %get3A_0 = arith.constant 0 : index
    %get3A_1 = vector.load %arg0[%get3A, %get3A_0] : memref<32x2048xf32, #tpu.memory_space<vmem>>, vector<32x2048xf32>
    %slice3A = vector.extract_strided_slice %get3A_1 {offsets = [0, 0], sizes = [32, 1024], strides = [1, 1]} : vector<32x2048xf32> to vector<32x1024xf32>
    %reduce_sum3A = arith.constant dense<0.000000e+00> : vector<1024xf32>
    %reduce_sum3A_2 = vector.multi_reduction <add>, %slice3A, %reduce_sum3A [0] : vector<32x1024xf32> to vector<1024xf32>
    %reshape3A = vector.shape_cast %reduce_sum3A_2 : vector<1024xf32> to vector<8x128xf32>
    %slice3A_3 = vector.extract_strided_slice %get3A_1 {offsets = [0, 1024], sizes = [32, 1024], strides = [1, 1]} : vector<32x2048xf32> to vector<32x1024xf32>
    %reduce_sum3A_4 = arith.constant dense<0.000000e+00> : vector<1024xf32>
    %reduce_sum3A_5 = vector.multi_reduction <add>, %slice3A_3, %reduce_sum3A_4 [0] : vector<32x1024xf32> to vector<1024xf32>
    %reshape3A_6 = vector.shape_cast %reduce_sum3A_5 : vector<1024xf32> to vector<8x128xf32>
    %iota3A = tpu.iota {dimensions = array<i32: 0>} : vector<128x1xi32>
    %iota3A_7 = tpu.iota {dimensions = array<i32: 1>} : vector<1x128xi32>
    %ge3A = vector.broadcast %iota3A : vector<128x1xi32> to vector<128x128xi32>
    %ge3A_8 = vector.broadcast %iota3A_7 : vector<1x128xi32> to vector<128x128xi32>
    %ge3A_9 = arith.cmpi sge, %ge3A, %ge3A_8 : vector<128x128xi32>
    %convert_element_type3A = arith.extui %ge3A_9 : vector<128x128xi1> to vector<128x128xi32>
    %convert_element_type3A_10 = arith.sitofp %convert_element_type3A : vector<128x128xi32> to vector<128x128xf32>
    %iota3A_11 = tpu.iota {dimensions = array<i32: 0>} : vector<8x1xi32>
    %iota3A_12 = tpu.iota {dimensions = array<i32: 1>} : vector<1x8xi32>
    %gt3A = vector.broadcast %iota3A_12 : vector<1x8xi32> to vector<8x8xi32>
    %gt3A_13 = vector.broadcast %iota3A_11 : vector<8x1xi32> to vector<8x8xi32>
    %gt3A_14 = arith.cmpi sgt, %gt3A, %gt3A_13 : vector<8x8xi32>
    %convert_element_type3A_15 = arith.extui %gt3A_14 : vector<8x8xi1> to vector<8x8xi32>
    %convert_element_type3A_16 = arith.sitofp %convert_element_type3A_15 : vector<8x8xi32> to vector<8x8xf32>
    %dot_general3A = arith.constant dense<0.000000e+00> : vector<8x128xf32>
    %dot_general3A_17 = tpu.matmul %reshape3A, %convert_element_type3A_10, %dot_general3A {dimension_numbers = #tpu.dot_dimension_numbers<[1], [0], [0], [1], [0, 0, 1, 1], [], []>, precision = #tpu.contract_precision<fp32>, transpose_lhs_hint = false} : vector<8x128xf32>, vector<128x128xf32>, vector<8x128xf32> -> vector<8x128xf32>
    %reduce_sum3A_18 = arith.constant dense<0.000000e+00> : vector<8xf32>
    %reduce_sum3A_19 = vector.multi_reduction <add>, %reshape3A, %reduce_sum3A_18 [1] : vector<8x128xf32> to vector<8xf32>
    %broadcast_in_dim3A = vector.shape_cast %reduce_sum3A_19 : vector<8xf32> to vector<8x1xf32>
    %dot_general3A_20 = arith.constant dense<0.000000e+00> : vector<8x1xf32>
    %dot_general3A_21 = tpu.matmul %convert_element_type3A_16, %broadcast_in_dim3A, %dot_general3A_20 {dimension_numbers = #tpu.dot_dimension_numbers<[1], [0], [0], [1], [0, 0, 1, 1], [], []>, precision = #tpu.contract_precision<fp32>, transpose_lhs_hint = false} : vector<8x8xf32>, vector<8x1xf32>, vector<8x1xf32> -> vector<8x1xf32>
    %add3A = vector.broadcast %dot_general3A_21 : vector<8x1xf32> to vector<8x128xf32>
    %add3A_22 = arith.addf %dot_general3A_17, %add3A : vector<8x128xf32>
    %dot_general3A_23 = arith.constant dense<0.000000e+00> : vector<8x128xf32>
    %dot_general3A_24 = tpu.matmul %reshape3A_6, %convert_element_type3A_10, %dot_general3A_23 {dimension_numbers = #tpu.dot_dimension_numbers<[1], [0], [0], [1], [0, 0, 1, 1], [], []>, precision = #tpu.contract_precision<fp32>, transpose_lhs_hint = false} : vector<8x128xf32>, vector<128x128xf32>, vector<8x128xf32> -> vector<8x128xf32>
    %reduce_sum3A_25 = arith.constant dense<0.000000e+00> : vector<8xf32>
    %reduce_sum3A_26 = vector.multi_reduction <add>, %reshape3A_6, %reduce_sum3A_25 [1] : vector<8x128xf32> to vector<8xf32>
    %broadcast_in_dim3A_27 = vector.shape_cast %reduce_sum3A_26 : vector<8xf32> to vector<8x1xf32>
    %dot_general3A_28 = arith.constant dense<0.000000e+00> : vector<8x1xf32>
    %dot_general3A_29 = tpu.matmul %convert_element_type3A_16, %broadcast_in_dim3A_27, %dot_general3A_28 {dimension_numbers = #tpu.dot_dimension_numbers<[1], [0], [0], [1], [0, 0, 1, 1], [], []>, precision = #tpu.contract_precision<fp32>, transpose_lhs_hint = false} : vector<8x8xf32>, vector<8x1xf32>, vector<8x1xf32> -> vector<8x1xf32>
    %add3A_30 = vector.broadcast %dot_general3A_29 : vector<8x1xf32> to vector<8x128xf32>
    %add3A_31 = arith.addf %dot_general3A_24, %add3A_30 : vector<8x128xf32>
    %get3A_32 = arith.constant 0 : index
    %get3A_33 = arith.constant 0 : index
    %get3A_34 = memref.load %arg2[%get3A_32, %get3A_33] : memref<1x1xf32, #tpu.memory_space<smem>>
    %get3A_35 = arith.constant 0 : index
    %get3A_36 = arith.constant 0 : index
    %get3A_37 = memref.load %arg1[%get3A_35, %get3A_36] : memref<1x1xf32, #tpu.memory_space<smem>>
    %max3A = arith.constant 1.000000e-30 : f32
    %max3A_38 = arith.maximumf %get3A_37, %max3A : f32
    %sub3A = vector.broadcast %get3A_34 : f32 to vector<8x128xf32>
    %sub3A_39 = arith.subf %sub3A, %add3A_22 : vector<8x128xf32>
    %add3A_40 = vector.broadcast %get3A_34 : f32 to vector<8x128xf32>
    %add3A_41 = arith.addf %add3A_40, %add3A_31 : vector<8x128xf32>
    %max3A_42 = arith.constant 1.000000e+00 : f32
    %max3A_43 = vector.broadcast %max3A_42 : f32 to vector<8x128xf32>
    %max3A_44 = arith.maximumf %add3A_41, %max3A_43 : vector<8x128xf32>
    %div3A = arith.divf %sub3A_39, %max3A_44 : vector<8x128xf32>
    %sub3A_45 = arith.constant 1.000000e+00 : f32
    %sub3A_46 = vector.broadcast %sub3A_45 : f32 to vector<8x128xf32>
    %sub3A_47 = arith.subf %sub3A_46, %div3A : vector<8x128xf32>
    %div3A_48 = arith.constant 1.024000e+03 : f32
    %div3A_49 = arith.divf %max3A_38, %div3A_48 : f32
    %reduce_sum3A_50 = vector.shape_cast %sub3A_47 : vector<8x128xf32> to vector<1x8x128xf32>
    %reduce_sum3A_51 = arith.constant dense<0.000000e+00> : vector<1xf32>
    %reduce_sum3A_52 = vector.multi_reduction <add>, %reduce_sum3A_50, %reduce_sum3A_51 [1, 2] : vector<1x8x128xf32> to vector<1xf32>
    %reduce_sum3A_53 = vector.shape_cast %reduce_sum3A_52 : vector<1xf32> to vector<1x1x1xf32>
    %reduce_sum3A_54 = vector.extract %reduce_sum3A_53[0, 0, 0] : f32 from vector<1x1x1xf32>
    %slice3A_55 = vector.extract_strided_slice %sub3A_47 {offsets = [0, 0], sizes = [1, 1], strides = [1, 1]} : vector<8x128xf32> to vector<1x1xf32>
    %squeeze3A = vector.extract %slice3A_55[0, 0] : f32 from vector<1x1xf32>
    %mul3A = arith.constant 5.000000e-01 : f32
    %mul3A_56 = arith.mulf %mul3A, %squeeze3A : f32
    %sub3A_57 = arith.subf %reduce_sum3A_54, %mul3A_56 : f32
    %mul3A_58 = arith.mulf %div3A_49, %sub3A_57 : f32
    %gt3A_59 = arith.constant 0.000000e+00 : f32
    %gt3A_60 = arith.cmpf ogt, %get3A_34, %gt3A_59 : f32
    %jit3A = arith.constant 0.000000e+00 : f32
    %select_n3A = arith.select %gt3A_60, %mul3A_58, %jit3A : f32
    %swap3A = arith.constant 0 : index
    %swap3A_61 = arith.constant 0 : index
    %swap3A_62 = memref.load %arg3[%swap3A, %swap3A_61] : memref<1x1xf32, #tpu.memory_space<smem>>
    memref.store %select_n3A, %arg3[%swap3A, %swap3A_61] : memref<1x1xf32, #tpu.memory_space<smem>>
    return
  }
}

</mosaic_0001>

<sc_bundles>
// kernel: kernel.5.cloned.1.call-start
scs
__scs_entry_jumppad:
0x0: {  	(pc) =	sbr.rel $0x88, $3  }
0x1: {  	(tag) =	ssettag $0x0;
	lr =	simm.s32 $0x1  }
0x2: {  	[smem:$0x3F9F] =	sst lr;
	_ =	strace $0xD0000000  }
0x3: {  	_ = 	snop  }
0x4: {  	_ = 	snop  }
0x5: {  	_ = 	snop  }
0x6: {  	_ = 	snop  }
0x7: {  	_ = 	snop  }
__scs_overlays_trampoline_lowered:
0x8: {  	[smem:$0x3FAE] =	sst s0  }
0x9: {  	[smem:$0x3FAF] =	sst s1  }
0xa: {  	[smem:$0x3FB0] =	sst s2  }
0xb: {  	[smem:$0x3FB1] =	sst s3  }
0xc: {  	[smem:$0x3FB2] =	sst s4  }
0xd: {  	[smem:$0x3FB3] =	sst s5  }
0xe: {  	[smem:$0x3FB4] =	sst s6  }
0xf: {  	[smem:$0x3FB5] =	sst s7  }
0x10: {  	[smem:$0x3FB6] =	sst s8  }
0x11: {  	[smem:$0x3FB7] =	sst s9;
	s0 =	simm.s32 @!p0 $0x0  }
0x12: {  	s1 =	sld [smem:$0x3F9D];
	s0 =	simm.s32 @p0 $0x1  }
0x13: {  	[smem:$0x3FB8] =	sst s0;
	s0 =	simm.s32 @!p1 $0x0  }
0x14: {  	s2 =	sld [smem:$0x3F9C];
	s0 =	simm.s32 @p1 $0x1  }
0x15: {  	[smem:$0x3FB9] =	sst s0;
	s0 =	simm.s32 @!p2 $0x0  }
0x16: {  	s3 =	sld [smem:$0x3FDB];
	s0 =	simm.s32 @p2 $0x1  }
0x17: {  	s4 =	simm.s32 $0x1BF5;
	[smem:$0x3FBB] =	sst s0  }
0x18: {  	s0 =	sld [smem:$0x3F9E];
	_ =	swait.ge [sflag:s4], $0x0  }
0x19: {  	s7 =	sld [smem:$0x3F9F]  }
0x1a: {  	s8 =	sadd.s32 $0xFFFFE003, lr  }
0x1b: {  	s9 =	sadd.s32 $0xFFFFFEF7, lr;
	s5 =	simm.s32 $0xFFFFFFFF;
	p2 =	slt.u32 s8, $0xFFFFF086  }
0x1c: {  	p1 =	slt.u32 s9, $0xF7A;
	s5 =	simm.s32 @!p2 $0x0  }
0x1d: {  	s5 =	simm.s32 @p1 $0x1;
	p0 =	seq.s32 s7, s2  }
0x1e: {  	s7 =	smul.u32 @!p0 $0xF7A, s2;
	p2 =	seq.s32 @!p0 s5, $0x0  }
0x1f: {  	s9 =	smul.u32 $0xF7A, s1;
	s8 =	simm.s32 @!p0 $0x1BF5;
	p2 =	por !p2, p0  }
0x20: {  	[sflag:s8] =	ssyncset.s32 @!p0 $0xFFFFF086;
	s6 =	sadd.s32 @!p0 s3, s7;
	s7 =	simm.s32 @!p0 $0x108  }
0x21: {  	s3 =	sadd.s32 s3, s9;
	s6 =	sadd.s32 @!p0 $0x88, s6;
	s7 =	simm.s32 @p2 $0x1082  }
0x22: {  	[simem:s7], [sflag:s8] =	dma.local @!p0 [hbm:s6], $0xF7A  }
0x23: {  	s9 =	sor.u32 $0xD0000000, s2;
	s6 =	simm.s32 $0x108;
	_ =	swait.ge @!p0 [sflag:s8], $0x0  }
0x24: {  	s3 =	sadd.s32 $0x88, s3;
	s6 =	simm.s32 @!p1 $0x1082;
	[sflag:s4] =	ssyncset.s32 $0xFFFFF086  }
0x25: {  	[simem:s6], [sflag:s4] =	dma.local [hbm:s3], $0xF7A  }
0x26: {  	[smem:$0x3F9F] =	sst s1;
	(tag) =	ssettag s2;
	_ =	strace s9  }
0x27: {  	s1 =	sld [smem:$0x3FAF]  }
0x28: {  	s2 =	sld [smem:$0x3FB0]  }
0x29: {  	s4 =	sld [smem:$0x3FB2]  }
0x2a: {  	p0 =	seq.s32 s5, $0x0;
	s5 =	sld [smem:$0x3FB3]  }
0x2b: {  	s6 =	sld [smem:$0x3FB4]  }
0x2c: {  	s7 =	sld [smem:$0x3FB5]  }
0x2d: {  	s3 =	simm.s32 $0x108;
	s8 =	sld [smem:$0x3FB6]  }
0x2e: {  	s3 =	simm.s32 @!p0 $0x1082;
	s9 =	sld [smem:$0x3FB7]  }
0x2f: {  	lr =	sadd.s32 s0, s3;
	s0 =	sld [smem:$0x3FAE]  }
0x30: {  	s3 =	sld [smem:$0x3FB1]  }
0x31: {  	[smem:$0x3FBA] =	sst s10  }
0x32: {  	s10 =	sld [smem:$0x3FB8];
	_ =	sdelay $0x3  }
0x33: {  	p0 =	seq.s32 s10, $0x1;
	s10 =	sld [smem:$0x3FBA];
	_ =	sdelay $0x3  }
0x34: {  	[smem:$0x3FBA] =	sst s10  }
0x35: {  	s10 =	sld [smem:$0x3FB9];
	_ =	sdelay $0x3  }
0x36: {  	p1 =	seq.s32 s10, $0x1;
	s10 =	sld [smem:$0x3FBA];
	_ =	sdelay $0x3  }
0x37: {  	[smem:$0x3FBA] =	sst s10  }
0x38: {  	s10 =	sld [smem:$0x3FBB]  }
0x39: {  	_ = 	snop;
	(pc) =	sbr.ind lr, $3  }
0x3a: {  	_ = 	snop  }
0x3b: {  	_ = 	snop  }
0x3c: {  	p2 =	seq.s32 s10, $0x1;
	s10 =	sld [smem:$0x3FBA]  }
0x3d: {  	_ =	shalt  }
0x3e: {  	_ =	shalt  }
0x3f: {  	_ =	shalt  }
0x40: {  	_ =	shalt  }
0x41: {  	_ =	shalt  }
0x42: {  	_ =	shalt  }
0x43: {  	_ =	shalt  }
0x44: {  	_ =	shalt  }
0x45: {  	_ =	shalt  }
0x46: {  	_ =	shalt  }
0x47: {  	_ =	shalt  }
0x48: {  	_ =	shalt  }
0x49: {  	_ =	shalt  }
0x4a: {  	_ =	shalt  }
0x4b: {  	_ =	shalt  }
0x4c: {  	_ =	shalt  }
0x4d: {  	_ =	shalt  }
0x4e: {  	_ =	shalt  }
0x4f: {  	_ =	shalt  }
0x50: {  	_ =	shalt  }
0x51: {  	_ =	shalt  }
0x52: {  	_ =	shalt  }
0x53: {  	_ =	shalt  }
0x54: {  	_ =	shalt  }
0x55: {  	_ =	shalt  }
0x56: {  	_ =	shalt  }
0x57: {  	_ =	shalt  }
0x58: {  	_ =	shalt  }
0x59: {  	_ =	shalt  }
0x5a: {  	_ =	shalt  }
0x5b: {  	_ =	shalt  }
0x5c: {  	_ =	shalt  }
0x5d: {  	_ =	shalt  }
0x5e: {  	_ =	shalt  }
0x5f: {  	_ =	shalt  }
0x60: {  	_ =	shalt  }
0x61: {  	_ =	shalt  }
0x62: {  	_ =	shalt  }
0x63: {  	_ =	shalt  }
0x64: {  	_ =	shalt  }
0x65: {  	_ =	shalt  }
0x66: {  	_ =	shalt  }
0x67: {  	_ =	shalt  }
0x68: {  	_ =	shalt  }
0x69: {  	_ =	shalt  }
0x6a: {  	_ =	shalt  }
0x6b: {  	_ =	shalt  }
0x6c: {  	_ =	shalt  }
0x6d: {  	_ =	shalt  }
0x6e: {  	_ =	shalt  }
0x6f: {  	_ =	shalt  }
0x70: {  	_ =	shalt  }
0x71: {  	_ =	shalt  }
0x72: {  	_ =	shalt  }
0x73: {  	_ =	shalt  }
0x74: {  	_ =	shalt  }
0x75: {  	_ =	shalt  }
0x76: {  	_ =	shalt  }
0x77: {  	_ =	shalt  }
0x78: {  	_ =	shalt  }
0x79: {  	_ =	shalt  }
0x7a: {  	_ =	shalt  }
0x7b: {  	_ =	shalt  }
0x7c: {  	_ =	shalt  }
0x7d: {  	_ =	shalt  }
0x7e: {  	_ =	shalt  }
0x7f: {  	_ =	shalt  }
0x80: {  	_ =	shalt  }
0x81: {  	_ =	shalt  }
0x82: {  	_ =	shalt  }
0x83: {  	_ =	shalt  }
0x84: {  	_ =	shalt  }
0x85: {  	_ =	shalt  }
0x86: {  	_ =	shalt  }
0x87: {  	_ =	shalt  }
.Lfunc_end0:
.L_simem_size_0:
called_computation_lowered:
.L_overlay_start_0:
0x88: {  	s2 =	sld [smem:$0x3FD9]  }
0x89: {  	s3 =	sld [smem:$0x3FFE];
	_ =	sdelay $0x1  }
0x8a: {  	s1 =	srdreg.scid  }
0x8b: {  	s0 =	sand.u32 $0x1, s1  }
0x8c: {  	s17 =	sshll.u32 s0, $0xA;
	s2 =	sadd.s32 s3, s2  }
0x8d: {  	s2 =	sadd.s32 s2, s17  }
0x8e: {  	[smem:$0x3FC6] =	sst s2  }
0x8f: {  	_ = 	snop  }
0x90: {  	s2 =	sld [smem:$0x3FD0];
	(tm) =	ssettm $0x1  }
0x91: {  	s18 =	sld [smem:$0x3FFB];
	_ =	sdelay $0x3  }
0x92: {  	_ =	strace s18  }
0x93: {  	s3 =	sld [smem:$0x3FFC];
	_ =	sdelay $0x3  }
0x94: {  	_ =	strace s3  }
0x95: {  	s3 =	sld [smem:$0x3FFD];
	_ =	sdelay $0x3  }
0x96: {  	_ =	strace s3  }
0x97: {  	_ =	strace $0x8FFFFFFF  }
0x98: {  	s19 =	sld [smem:$0x3FDB];
	_ =	sdelay $0x1  }
0x99: {  	s4 =	simm.s32 $_scs_section_size  }
0x9a: {  	s5 =	simm.s32 $_size__tile_overlayer_lowered;
	s6 =	simm.s32 $_tile_overlayer_lowered  }
0x9b: {  	s22 =	simm.s32 $0x1BFF;
	s21 =	sshll.u32 s6, $0x1;
	s3 =	sadd.s32 s4, s19  }
0x9c: {  	s7 =	simm.s32 $0x0;
	s20 =	sshll.u32 s5, $0x1;
	s5 =	sadd.s32 s21, s3  }
0x9d: {  	[timem:s7], [sflag:s22] =	dma.local [hbm:s5], s20  }
0x9e: {  	_ =	swait.ge [sflag:s22], s20  }
0x9f: {  	s4 =	ssub.s32 $0x0, s20;
	[sflag:s22] =	ssyncset.done $0x0  }
0xa0: {  	[sflag:s22] =	ssyncadd.s32 s4;
	_ =	sdelay $0x1  }
0xa1: {  	s23 =	simm.s32 $0x1B8B  }
0xa2: {  	_ =	swait.ge [sflag:s23], $0x1  }
0xa3: {  	[sflag:s23] =	ssyncset.done $0x0  }
0xa4: {  	s25 =	simm.s32 $0x1B8E;
	s24 =	sld [smem:$0x3FFE];
	[sflag:s23] =	ssyncadd.s32 $0xFFFFFFFF  }
0xa5: {  	s26 =	simm.s32 $execute0_lowered;
	[smem:$0x3FD2] =	sst s25  }
0xa6: {  	s5 =	sshll.u32 s26, $0x1;
	_ =	strace $0x80000046;
	[dreg:$0x1] =	wrdreg $0xFFFFFFFF  }
0xa7: {  	s28 =	simm.s32 $_size_execute0_lowered;
	s3 =	sadd.s32 s3, s5;
	[dreg:$0x0] =	wrdreg $0x0  }
0xa8: {  	s5 =	sshll.u32 s28, $0x1;
	[dreg:$0x2] =	wrdreg s3  }
0xa9: {  	[dreg:$0x3] =	wrdreg s5  }
0xaa: {  	[dreg:$0x4] =	wrdreg $0xC0  }
0xab: {  	_ =	task [dreg:s7], $0x5FFFF  }
0xac: {  	[dreg:$0x1] =	wrdreg $0xFFFFFFFF  }
0xad: {  	[dreg:$0x0] =	wrdreg $0x60  }
0xae: {  	[dreg:$0x2] =	wrdreg s24  }
0xaf: {  	[dreg:$0x3] =	wrdreg s2  }
0xb0: {  	[dreg:$0x4] =	wrdreg $0x9  }
0xb1: {  	_ =	task.clear_ibuf [dreg:s7], $0x5FFFF;
	_ =	strace $0x90000046  }
0xb2: {  	s29 =	simm.s32 $0x9;
	_ =	strace $0x80000048  }
0xb3: {  	_ =	swait.ge [sflag:s29], $0x1  }
0xb4: {  	[sflag:s29] =	ssyncadd.s32 $0xFFFFFFFF  }
0xb5: {  	_ =	strace $0x90000048  }
0xb6: {  	_ =	sfence  }
0xb7: {  	s30 =	sld [smem:$0x0];
	_ =	sdelay $0x2  }
0xb8: {  	s31 =	sshll.u32 s1, $0xD;
	s1 =	sshrl.u32 s1, $0x2  }
0xb9: {  	s3 =	sand.u32 $0x4000, s31;
	s1 =	sadd.s32 s1, s30  }
0xba: {  	s0 =	sor.u32 s3, s0;
	s1 =	sshll.u32 s1, $0x11  }
0xbb: {  	s0 =	sor.u32 s1, s0  }
0xbc: {  	s0 =	sadd.s32 $0x8F2B, s0  }
0xbd: {  	[sflag:s0] =	ssyncadd.remote.s32 $0x1  }
0xbe: {  	_ =	sfence.sel $0xFFFF  }
0xbf: {  	[dreg:$0x0] =	wrdreg $0xFFFFFFFF;
	(pc) =	sbr.abs _section_cstart, $3  }
0xc0: {  	[dreg:$0x1] =	wrdreg $0xFFFFFFFF  }
0xc1: {  	_ =	task.clear_ibuf [dreg:s7], $0x2FFFF;
	_ =	strace $0x9FFFFFFF  }
0xc2: {  	(tm) =	ssettm $0x7FFFFFFF  }
0xc3: {  	_ =	shalt  }
tec
execute0_lowered:
.L_overlay_start_1:
0x0: {  	(tag) =	ssettag $0x1  }
0x1: {  	s5 =	rddreg [dreg:$0x0]  }
0x2: {  	s1 =	rddreg [dreg:$0x1]  }
0x3: {  	s0 =	rddreg [dreg:$0x2]  }
0x4: {  	s3 =	simm.s32 $0x0;
	s2 =	stileid.u32;
	s6 =	srdreg.scid  }
0x5: {  	s11 =	simm.s32 $0x3;
	s12 =	simm.s32 $0x4000;
	s13 =	simm.s32 $0x1  }
0x6: {  	s14 =	simm.s32 $0x8080;
	s15 =	simm.s32 $0x10180;
	s16 =	simm.s32 $0x2  }
0x7: {  	s17 =	simm.s32 $0x80;
	s18 =	simm.s32 $0x400;
	s19 =	simm.s32 $0x18280  }
0x8: {  	s20 =	simm.s32 $0x0;
	[smem:$0x7FF] =	sst s3;
	s4 =	sadd.s32 $0x1000, s5  }
0x9: {  	s7 =	sshll.u32 s2, $0x9;
	s6 =	sand.u32 $0x1, s6;
	s8 =	sshll.u32 s2, $0x1  }
0xa: {  	_ =	strace $0x80000047;
	s7 =	sand.u32 $0x1800, s7;
	s9 =	ssub.s32 $0x2, s6  }
0xb: {  	s6 =	sor.u32 s6, s8;
	s7 =	sadd.s32 s7, s5;
	s30 =	sshrl.u32 s9, $0x1  }
0xc: {  	s8 =	sshll.u32 s6, $0x4;
	s31 =	sshll.u32 s6, $0xE;
	s10 =	sshll.u32 s6, $0x11  }
0xd: {  	s9 =	ssub.s32 s9, s30;
	s8 =	sand.u32 $0x70, s8;
	s5 =	sadd.s32 s4, s31  }
0xe: {  	v1 =	vlaneseq.u32;
	s6 =	sor.u32 $0x4000, s10;
	s8 =	sadd.s32 s8, s7;
	s7 =	sor.u32 $0x8000, s10  }
0xf: {  	v0 =	vimm.f32 $0.0e+00;
	v2 =	vimm.f32 $1.000000000e+00;
	v1 =	vmul.u32 $0x811, v1;
	s9 =	smax.u32 s9, $0x1;
	s10 =	simm.s32 $0x8000;
	s8 =	sadd.s32 $0x81000, s8  }
.LBB2_1:
0x10: {  	[tilespmem:s10], [sflag:$0x3] =	stream.linear.gather [hbm4b:s1+s3], $0x80, $0x38;
	[tilespmem:$0x18A80] =	vst v63  }
0x11: {  	_ =	swait.ge [sflag:s11], $0x80  }
0x12: {  	[sflag:s11] =	ssyncset.done $0x0  }
0x13: {  	[sflag:s11] =	ssyncadd.s32 $0xFFFFFF80  }
0x14: {  	s21 =	simm.s32 $0x40;
	s22 =	simm.s32 $0x0;
	v3 =	vld [tilespmem:$0x8000]  }
.LBB2_2:
0x15: {  	p0 =	sne.s32 s21, $0x203C0;
	[tilespmem:s22+$0x8080] =	vst v0;
	s23 =	smov.u32 s21;
	s21 =	sadd.s32 $0x40, s21  }
.Ltmp0:
0x16: {  	[tilespmem:s22+$0x10180] =	vst v0;
	(pc) =	sbr.rel @p0 .LBB2_2-.Ltmp0, $2  }
0x17: {  	_ =	sdelay $0x2  }
0x18: {  	s22 =	sshra.s32 s23, $0x2  }
0x19: {  	v3 =	vmax.f32 v3, $1.000000000e-30  }
0x1a: {  	(erf) = vrcp.f32 v3;
	_ =	sdelay $0x7  }
0x1b: {  	[tilespmem:s22+$0x8080] =	vst v0  }
0x1c: {  	[tilespmem:s22+$0x10180] =	vst v0;
	s21 =	simm.s32 $0x0;
	v3 =	vpop (erf)  }
0x1d: {  	[tilespmem:s21], [sflag:$0x1] =	stream.linear.gather [hbm4b:s5+s21], $0x4000, $0x38;
	v3 =	vmul.f32 $1.024000000e+03, v3;
	[tilespmem:$0x18A80] =	vst v63  }
.LBB2_4:
0x1e: {  	s22 =	sshll.u32 s21, $0xF  }
0x1f: {  	s22 =	sadd.s32 s6, s22  }
0x20: {  	s22 =	sshrl.u32 s22, $0x3  }
0x21: {  	s22 =	sadd.s32 s4, s22  }
0x22: {  	[tilespmem:s12], [sflag:$0x2] =	stream.linear.gather [hbm4b:s22+s3], $0x4000, $0x38;
	[tilespmem:$0x18A80] =	vst v63  }
0x23: {  	_ =	swait.ge [sflag:s13], $0x4000  }
0x24: {  	[sflag:s13] =	ssyncset.done $0x0  }
0x25: {  	s23 =	simm.s32 $0x80;
	[sflag:s13] =	ssyncadd.s32 $0xFFFFC000  }
0x26: {  	v4 =	vld [tilespmem:s23+$0x60]  }
0x27: {  	v5 =	vld [tilespmem:s23+$0xFFFFFFA0]  }
0x28: {  	v6 =	vld [tilespmem:s23+$0xFFFFFFC0]  }
0x29: {  	v7 =	vld [tilespmem:s23+$0xFFFFFFE0]  }
0x2a: {  	v8 =	vld [tilespmem:s23+$0x0]  }
0x2b: {  	v9 =	vld [tilespmem:s23+$0x20]  }
0x2c: {  	s22 =	simm.s32 $0x180;
	v13 =	vld [tilespmem:s23+$0xFFFFFF80]  }
0x2d: {  	v24 =	vld [tilespmem:s22+$0x20];
	v10 =	vmul.f32 v4, v3;
	v11 =	vmul.f32 v5, v3  }
0x2e: {  	v28 =	vld [tilespmem:s22+$0xFFFFFF80];
	v12 =	vshll.u32 v5, $0xA;
	vm0 =	vgt.f32 v5, $0.0e+00;
	v14 =	vmul.f32 v6, v3  }
0x2f: {  	v15 =	vshll.u32 v6, $0xA;
	v16 =	vmul.f32 v7, v3;
	v17 =	vshll.u32 v4, $0xA  }
0x30: {  	v18 =	vmul.f32 v8, v3;
	v19 =	vmul.f32 v9, v3;
	vm1 =	vgt.f32 v4, $0.0e+00  }
0x31: {  	v20 =	vshll.u32 v13, $0xA;
	v21 =	vshll.u32 v7, $0xA;
	vm2 =	vgt.f32 v6, $0.0e+00  }
0x32: {  	vm3 =	vgt.f32 v8, $0.0e+00;
	vm4 =	vgt.f32 v9, $0.0e+00;
	v34 =	vmul.f32 v24, v3  }
0x33: {  	v48 =	vmul.f32 v28, v3;
	v35 =	vshll.u32 v28, $0xA;
	v38 =	vshll.u32 v24, $0xA  }
0x34: {  	v5 =	vld [tilespmem:s23+$0x40];
	vm9 =	vgt.f32 v24, $0.0e+00;
	v17 =	vand.u32 $0x400, v17;
	v10 =	vtrunc.f32 v10  }
0x35: {  	v12 =	vand.u32 $0x400, v12;
	v11 =	vtrunc.f32 v11;
	v4 =	vtrunc.f32 v14  }
0x36: {  	v20 =	vand.u32 $0x400, v20;
	v16 =	vtrunc.f32 v16;
	v18 =	vtrunc.f32 v18  }
0x37: {  	v15 =	vand.u32 $0x400, v15;
	v34 =	vtrunc.f32 v34;
	v10 =	vcvt.f32.s32 v10  }
0x38: {  	v21 =	vand.u32 $0x400, v21;
	v11 =	vcvt.f32.s32 v11;
	v4 =	vcvt.f32.s32 v4  }
0x39: {  	v50 =	vand.u32 $0x400, v35;
	v16 =	vcvt.f32.s32 v16;
	v14 =	vmul.f32 v5, v3  }
0x3a: {  	v4 =	vadd.s32 v15, v4;
	v15 =	vshll.u32 v5, $0xA;
	vm5 =	vgt.f32 v5, $0.0e+00;
	v5 =	vld [tilespmem:s22+$0x60]  }
0x3b: {  	v18 =	vcvt.f32.s32 v18;
	v34 =	vcvt.f32.s32 v34;
	v6 =	vadd.s32 v21, v16;
	v21 =	vld [tilespmem:s22+$0x0]  }
0x3c: {  	v10 =	vadd.s32 v17, v10;
	v17 =	vmul.f32 v13, v3;
	v11 =	vadd.s32 v12, v11  }
0x3d: {  	v12 =	vshll.u32 v8, $0xA;
	v8 =	vtrunc.f32 v19;
	v10 =	vadd.s32 v1, v10  }
0x3e: {  	v11 =	vadd.s32 v1, v11;
	v4 =	vadd.s32 v1, v4;
	v17 =	vtrunc.f32 v17  }
0x3f: {  	v6 =	vadd.s32 v1, v6;
	v8 =	vcvt.f32.s32 v8;
	v17 =	vcvt.f32.s32 v17  }
0x40: {  	v25 =	vmul.f32 v5, v3;
	v32 =	vshll.u32 v5, $0xA;
	v33 =	vmul.f32 v21, v3  }
0x41: {  	vm6 =	vgt.f32 v5, $0.0e+00;
	v37 =	vshll.u32 v21, $0xA;
	vm8 =	vgt.f32 v21, $0.0e+00  }
0x42: {  	[tilespmem:v10+s14+$0x0] =	vst.idx.add.f32.msk vm1, v2;
	v10 =	vand.u32 $0x400, v12;
	v12 =	vadd.s32 v20, v17;
	vm1 =	vgt.f32 v13, $0.0e+00  }
0x43: {  	[tilespmem:v11+s14+$0x0] =	vst.idx.add.f32.msk vm0, v2;
	vm0 =	vgt.f32 v7, $0.0e+00;
	v32 =	vand.u32 $0x400, v32;
	v12 =	vadd.s32 v1, v12  }
0x44: {  	v13 =	vld [tilespmem:s23+$0x70];
	v7 =	vadd.s32 v10, v18;
	v10 =	vtrunc.f32 v14;
	v25 =	vtrunc.f32 v25  }
0x45: {  	v54 =	vand.u32 $0x400, v37;
	v11 =	vld [tilespmem:s23+$0xFFFFFFB0];
	v33 =	vtrunc.f32 v33;
	v25 =	vcvt.f32.s32 v25  }
0x46: {  	v14 =	vshll.u32 v9, $0xA;
	v18 =	vld [tilespmem:s22+$0xFFFFFFE0];
	v7 =	vadd.s32 v1, v7;
	v33 =	vcvt.f32.s32 v33  }
0x47: {  	v10 =	vcvt.f32.s32 v10;
	v25 =	vadd.s32 v32, v25;
	v32 =	vtrunc.f32 v48  }
0x48: {  	v56 =	vadd.s32 v54, v33;
	v25 =	vadd.s32 v1, v25;
	v32 =	vcvt.f32.s32 v32  }
0x49: {  	v16 =	vmul.f32 v13, v3;
	[tilespmem:v12+s14+$0x0] =	vst.idx.add.f32.msk vm1, v2;
	v12 =	vand.u32 $0x400, v14;
	v14 =	vand.u32 $0x400, v15  }
0x4a: {  	[tilespmem:v4+s14+$0x0] =	vst.idx.add.f32.msk vm2, v2;
	v15 =	vshll.u32 v11, $0xA;
	vm1 =	vgt.f32 v13, $0.0e+00;
	vm2 =	vgt.f32 v11, $0.0e+00  }
0x4b: {  	[tilespmem:v6+s14+$0x0] =	vst.idx.add.f32.msk vm0, v2;
	v31 =	vmul.f32 v18, v3;
	v36 =	vshll.u32 v18, $0xA;
	vm7 =	vgt.f32 v18, $0.0e+00  }
0x4c: {  	v4 =	vadd.s32 v12, v8;
	v12 =	vmul.f32 v11, v3;
	v6 =	vadd.s32 v14, v10  }
0x4d: {  	[tilespmem:v7+s14+$0x0] =	vst.idx.add.f32.msk vm3, v2;
	v7 =	vshll.u32 v13, $0xA;
	v13 =	vand.u32 $0x400, v15;
	v8 =	vtrunc.f32 v16  }
0x4e: {  	v11 =	vld [tilespmem:s22+$0xFFFFFFA0];
	v4 =	vadd.s32 v1, v4;
	v6 =	vadd.s32 v1, v6;
	v31 =	vtrunc.f32 v31  }
0x4f: {  	v14 =	vand.u32 $0x400, v7;
	v7 =	vld [tilespmem:s23+$0xFFFFFFD0];
	v8 =	vcvt.f32.s32 v8;
	v10 =	vtrunc.f32 v12  }
0x50: {  	v12 =	vld [tilespmem:s23+$0xFFFFFF90];
	v49 =	vcvt.f32.s32 v31;
	v31 =	vadd.s32 v50, v32;
	v10 =	vcvt.f32.s32 v10  }
0x51: {  	v53 =	vand.u32 $0x400, v36;
	[tilespmem:v25+s14+$0x0] =	vst.idx.add.f32.msk vm6, v2;
	v58 =	vadd.s32 v1, v31;
	v14 =	vadd.s32 v14, v8  }
0x52: {  	v8 =	vld [tilespmem:s23+$0xFFFFFFF0];
	v25 =	vadd.s32 v53, v49;
	v14 =	vadd.s32 v1, v14;
	v9 =	vadd.s32 v13, v10  }
0x53: {  	v52 =	vld [tilespmem:s22+$0x70];
	v26 =	vmul.f32 v11, v3;
	v27 =	vshll.u32 v11, $0xA;
	vm3 =	vgt.f32 v11, $0.0e+00  }
0x54: {  	v10 =	vld [tilespmem:s23+$0x10];
	v25 =	vadd.s32 v1, v25;
	v9 =	vadd.s32 v1, v9;
	v16 =	vmul.f32 v7, v3  }
0x55: {  	v17 =	vshll.u32 v7, $0xA;
	v27 =	vand.u32 $0x400, v27;
	[tilespmem:v6+s14+$0x0] =	vst.idx.add.f32.msk vm5, v2;
	v6 =	vand.u32 $0x400, v38  }
0x56: {  	[tilespmem:v4+s14+$0x0] =	vst.idx.add.f32.msk vm4, v2;
	vm4 =	vgt.f32 v28, $0.0e+00;
	v13 =	vmul.f32 v12, v3;
	v15 =	vshll.u32 v12, $0xA  }
0x57: {  	v11 =	vld [tilespmem:s22+$0x40];
	vm0 =	vgt.f32 v12, $0.0e+00;
	v17 =	vand.u32 $0x400, v17;
	v26 =	vtrunc.f32 v26  }
0x58: {  	v57 =	vadd.s32 v6, v34;
	v16 =	vtrunc.f32 v16;
	v26 =	vcvt.f32.s32 v26  }
0x59: {  	v15 =	vand.u32 $0x400, v15;
	v13 =	vtrunc.f32 v13;
	v19 =	vmul.f32 v8, v3  }
0x5a: {  	v12 =	vld [tilespmem:s22+$0xFFFFFFC0];
	v20 =	vshll.u32 v8, $0xA;
	v6 =	vmul.f32 v52, v3;
	v61 =	vshll.u32 v52, $0xA  }
0x5b: {  	vm6 =	vgt.f32 v52, $0.0e+00;
	v16 =	vcvt.f32.s32 v16;
	v22 =	vmul.f32 v10, v3  }
0x5c: {  	v23 =	vshll.u32 v10, $0xA;
	v47 =	vmul.f32 v11, v3;
	v51 =	vshll.u32 v11, $0xA  }
0x5d: {  	v26 =	vadd.s32 v27, v26;
	v62 =	vand.u32 $0x400, v61;
	v20 =	vand.u32 $0x400, v20  }
0x5e: {  	v19 =	vtrunc.f32 v19;
	v26 =	vadd.s32 v1, v26;
	v60 =	vtrunc.f32 v6  }
0x5f: {  	v55 =	vand.u32 $0x400, v51;
	[tilespmem:v9+s15+$0x0] =	vst.idx.add.f32.msk vm2, v2;
	v9 =	vcvt.f32.s32 v13;
	v29 =	vmul.f32 v12, v3  }
0x60: {  	[tilespmem:v14+s15+$0x0] =	vst.idx.add.f32.msk vm1, v2;
	vm2 =	vgt.f32 v10, $0.0e+00;
	v30 =	vshll.u32 v12, $0xA;
	v33 =	vcvt.f32.s32 v60  }
0x61: {  	v6 =	vld [tilespmem:s23+$0x50];
	vm5 =	vgt.f32 v12, $0.0e+00;
	v14 =	vtrunc.f32 v22;
	v5 =	vtrunc.f32 v29  }
0x62: {  	[tilespmem:v58+s14+$0x0] =	vst.idx.add.f32.msk vm4, v2;
	vm4 =	vgt.f32 v7, $0.0e+00;
	v12 =	vadd.s32 v62, v33;
	v5 =	vcvt.f32.s32 v5  }
0x63: {  	v30 =	vand.u32 $0x400, v30;
	v14 =	vcvt.f32.s32 v14;
	v12 =	vadd.s32 v1, v12;
	[tilespmem:v26+s14+$0x0] =	vst.idx.add.f32.msk vm3, v2  }
0x64: {  	v9 =	vadd.s32 v15, v9;
	v29 =	vtrunc.f32 v47;
	v5 =	vadd.s32 v30, v5;
	v18 =	vld [tilespmem:s22+$0xFFFFFFB0]  }
0x65: {  	v4 =	vcvt.f32.s32 v29;
	v29 =	vadd.s32 v1, v56;
	v59 =	vadd.s32 v1, v5;
	v5 =	vld [tilespmem:s23+$0x30]  }
0x66: {  	v22 =	vmul.f32 v6, v3;
	v13 =	vshll.u32 v6, $0xA;
	v30 =	vadd.s32 v1, v57  }
0x67: {  	vm3 =	vgt.f32 v11, $0.0e+00;
	v4 =	vadd.s32 v55, v4;
	v13 =	vand.u32 $0x400, v13  }
0x68: {  	v4 =	vadd.s32 v1, v4;
	v22 =	vtrunc.f32 v22;
	[tilespmem:v12+s15+$0x0] =	vst.idx.add.f32.msk vm6, v2;
	v12 =	vcvt.f32.s32 v19  }
0x69: {  	[tilespmem:v25+s14+$0x0] =	vst.idx.add.f32.msk vm7, v2;
	v22 =	vcvt.f32.s32 v22;
	v19 =	vand.u32 $0x400, v23;
	v23 =	vmul.f32 v18, v3  }
0x6a: {  	[tilespmem:v29+s14+$0x0] =	vst.idx.add.f32.msk vm8, v2;
	v63 =	vshll.u32 v18, $0xA;
	v12 =	vadd.s32 v20, v12;
	v11 =	vmul.f32 v5, v3  }
0x6b: {  	[tilespmem:v30+s14+$0x0] =	vst.idx.add.f32.msk vm9, v2;
	vm1 =	vgt.f32 v18, $0.0e+00;
	v21 =	vshll.u32 v5, $0xA;
	v23 =	vtrunc.f32 v23  }
0x6c: {  	[tilespmem:v59+s14+$0x0] =	vst.idx.add.f32.msk vm5, v2;
	v24 =	vand.u32 $0x400, v63;
	v11 =	vtrunc.f32 v11;
	v15 =	vcvt.f32.s32 v23  }
0x6d: {  	[tilespmem:v4+s14+$0x0] =	vst.idx.add.f32.msk vm3, v2;
	v4 =	vadd.s32 v19, v14;
	vm3 =	vgt.f32 v8, $0.0e+00;
	v11 =	vcvt.f32.s32 v11  }
0x6e: {  	v21 =	vand.u32 $0x400, v21;
	v23 =	vadd.s32 v17, v16;
	v17 =	vld [tilespmem:s22+$0xFFFFFF90];
	v14 =	vadd.s32 v24, v15  }
0x6f: {  	v16 =	vld [tilespmem:s22+$0xFFFFFFD0];
	v15 =	vadd.s32 v1, v23;
	v11 =	vadd.s32 v21, v11;
	v21 =	vadd.s32 v1, v9  }
0x70: {  	v9 =	vadd.s32 v13, v22;
	v18 =	vadd.s32 v1, v14;
	v14 =	vadd.s32 v1, v12;
	v12 =	vld [tilespmem:s22+$0xFFFFFFF0]  }
0x71: {  	s24 =	simm.s32 $0x280;
	s23 =	simm.s32 $0x10;
	v13 =	vadd.s32 v1, v4;
	v4 =	vld [tilespmem:s22+$0x10];
	v11 =	vadd.s32 v1, v11;
	v9 =	vadd.s32 v1, v9  }
.LBB2_5:
0x72: {  	v22 =	vld [tilespmem:s24+$0x60];
	s23 =	sadd.s32 $0x10, s23;
	vm7 =	vgt.f32 v5, $0.0e+00;
	vm6 =	vgt.f32 v6, $0.0e+00;
	vm8 =	vmmov vm0  }
0x73: {  	v5 =	vld [tilespmem:s24+$0xFFFFFFA0];
	p0 =	slt.u32 s23, $0x3F0;
	v6 =	vmul.f32 v17, v3;
	v20 =	vshll.u32 v17, $0xA;
	vm0 =	vgt.f32 v17, $0.0e+00  }
0x74: {  	v23 =	vld [tilespmem:s24+$0xFFFFFFC0];
	v10 =	vand.u32 $0x400, v20;
	v17 =	vmul.f32 v16, v3;
	v24 =	vshll.u32 v16, $0xA;
	v7 =	vmovc v16  }
0x75: {  	v25 =	vld [tilespmem:s24+$0xFFFFFFE0];
	v19 =	vtrunc.f32 v6;
	v6 =	vmul.f32 v12, v3;
	v16 =	vshll.u32 v12, $0xA;
	v8 =	vmovc v12  }
0x76: {  	v26 =	vld [tilespmem:s24+$0x0];
	v20 =	vtrunc.f32 v17;
	v27 =	vmul.f32 v4, v3;
	v17 =	vshll.u32 v4, $0xA  }
0x77: {  	v12 =	vand.u32 $0x400, v24;
	v28 =	vld [tilespmem:s24+$0x20];
	v29 =	vmul.f32 v22, v3;
	v24 =	vtrunc.f32 v6  }
0x78: {  	v6 =	vmul.f32 v5, v3;
	v30 =	vshll.u32 v5, $0xA;
	vm5 =	vgt.f32 v5, $0.0e+00;
	v31 =	vld [tilespmem:s24+$0x40]  }
0x79: {  	v32 =	vld [tilespmem:s24+$0xFFFFFF80];
	v33 =	vmul.f32 v23, v3;
	v34 =	vshll.u32 v23, $0xA;
	v5 =	vtrunc.f32 v29  }
0x7a: {  	v36 =	vshll.u32 v22, $0xA;
	v29 =	vmul.f32 v25, v3;
	v35 =	vcvt.f32.s32 v5;
	v5 =	vld [tilespmem:s22+$0x30]  }
0x7b: {  	v36 =	vand.u32 $0x400, v36;
	v37 =	vtrunc.f32 v6;
	v38 =	vmul.f32 v26, v3;
	v6 =	vld [tilespmem:s22+$0x50];
	s22 =	smov.u32 s24  }
0x7c: {  	vm9 =	vgt.f32 v22, $0.0e+00;
	v39 =	vmul.f32 v28, v3;
	v35 =	vadd.s32 v36, v35;
	[tilespmem:v21+s15+$0x0] =	vst.idx.add.f32.msk vm8, v2  }
0x7d: {  	v21 =	vtrunc.f32 v33;
	v22 =	vmul.f32 v31, v3;
	v33 =	vadd.s32 v1, v35;
	[tilespmem:v18+s15+$0x0] =	vst.idx.add.f32.msk vm1, v2  }
0x7e: {  	v29 =	vtrunc.f32 v29;
	v18 =	vmul.f32 v32, v3;
	v35 =	vshll.u32 v32, $0xA;
	[tilespmem:v15+s15+$0x0] =	vst.idx.add.f32.msk vm4, v2  }
0x7f: {  	v36 =	vtrunc.f32 v38;
	v15 =	vshll.u32 v25, $0xA;
	v38 =	vtrunc.f32 v39;
	[tilespmem:v14+s15+$0x0] =	vst.idx.add.f32.msk vm3, v2  }
0x80: {  	v22 =	vtrunc.f32 v22;
	v14 =	vtrunc.f32 v18;
	v18 =	vshll.u32 v26, $0xA;
	[tilespmem:v13+s15+$0x0] =	vst.idx.add.f32.msk vm2, v2  }
0x81: {  	v13 =	vcvt.f32.s32 v14;
	v14 =	vcvt.f32.s32 v37;
	v37 =	vshll.u32 v28, $0xA;
	[tilespmem:v11+s15+$0x0] =	vst.idx.add.f32.msk vm7, v2  }
0x82: {  	v11 =	vcvt.f32.s32 v21;
	v21 =	vcvt.f32.s32 v29;
	v29 =	vshll.u32 v31, $0xA;
	[tilespmem:v33+s14+$0x0] =	vst.idx.add.f32.msk vm9, v2  }
0x83: {  	v33 =	vand.u32 $0x400, v35;
	v35 =	vcvt.f32.s32 v36;
	v36 =	vcvt.f32.s32 v38;
	v38 =	vld [tilespmem:s24+$0x70]  }
0x84: {  	v30 =	vand.u32 $0x400, v30;
	v34 =	vand.u32 $0x400, v34;
	v22 =	vcvt.f32.s32 v22;
	[tilespmem:v9+s15+$0x0] =	vst.idx.add.f32.msk vm6, v2  }
0x85: {  	v9 =	vand.u32 $0x400, v15;
	v15 =	vand.u32 $0x400, v18;
	v18 =	vand.u32 $0x400, v37  }
0x86: {  	v29 =	vand.u32 $0x400, v29;
	v13 =	vadd.s32 v33, v13;
	v14 =	vadd.s32 v30, v14  }
0x87: {  	v11 =	vadd.s32 v34, v11;
	v9 =	vadd.s32 v9, v21;
	v15 =	vadd.s32 v15, v35  }
0x88: {  	v18 =	vadd.s32 v18, v36;
	v21 =	vadd.s32 v29, v22;
	v22 =	vmul.f32 v38, v3  }
0x89: {  	v13 =	vadd.s32 v1, v13;
	v14 =	vadd.s32 v1, v14;
	v11 =	vadd.s32 v1, v11  }
0x8a: {  	v9 =	vadd.s32 v1, v9;
	v15 =	vadd.s32 v1, v15;
	v22 =	vtrunc.f32 v22  }
0x8b: {  	v18 =	vadd.s32 v1, v18;
	v29 =	vshll.u32 v38, $0xA;
	v22 =	vcvt.f32.s32 v22  }
0x8c: {  	vm6 =	vgt.f32 v32, $0.0e+00;
	v21 =	vadd.s32 v1, v21;
	v29 =	vand.u32 $0x400, v29  }
0x8d: {  	vm4 =	vgt.f32 v23, $0.0e+00;
	vm7 =	vgt.f32 v38, $0.0e+00;
	v22 =	vadd.s32 v29, v22  }
0x8e: {  	vm3 =	vgt.f32 v26, $0.0e+00;
	[tilespmem:v14+s14+$0x0] =	vst.idx.add.f32.msk vm5, v2;
	vm5 =	vgt.f32 v25, $0.0e+00;
	v14 =	vadd.s32 v1, v22  }
0x8f: {  	vm1 =	vgt.f32 v28, $0.0e+00;
	v23 =	vmul.f32 v5, v3;
	vm2 =	vgt.f32 v31, $0.0e+00;
	v22 =	vld [tilespmem:s24+$0xFFFFFFB0]  }
0x90: {  	v26 =	vshll.u32 v5, $0xA;
	v25 =	vtrunc.f32 v27;
	v27 =	vmul.f32 v6, v3  }
0x91: {  	v19 =	vcvt.f32.s32 v19;
	v23 =	vtrunc.f32 v23;
	v28 =	vshll.u32 v6, $0xA  }
0x92: {  	v16 =	vand.u32 $0x400, v16;
	[tilespmem:v13+s14+$0x0] =	vst.idx.add.f32.msk vm6, v2;
	v13 =	vcvt.f32.s32 v20;
	v20 =	vtrunc.f32 v27  }
0x93: {  	v17 =	vand.u32 $0x400, v17;
	[tilespmem:v14+s15+$0x0] =	vst.idx.add.f32.msk vm7, v2;
	v14 =	vcvt.f32.s32 v24;
	v24 =	vcvt.f32.s32 v25  }
0x94: {  	v25 =	vmul.f32 v22, v3;
	v27 =	vshll.u32 v22, $0xA;
	[tilespmem:v11+s14+$0x0] =	vst.idx.add.f32.msk vm4, v2;
	v11 =	vcvt.f32.s32 v23  }
0x95: {  	v20 =	vcvt.f32.s32 v20;
	v23 =	vand.u32 $0x400, v27;
	[tilespmem:v9+s14+$0x0] =	vst.idx.add.f32.msk vm5, v2;
	v9 =	vand.u32 $0x400, v26  }
0x96: {  	v10 =	vadd.s32 v10, v19;
	v25 =	vtrunc.f32 v25;
	[tilespmem:v15+s14+$0x0] =	vst.idx.add.f32.msk vm3, v2;
	v15 =	vand.u32 $0x400, v28  }
0x97: {  	v12 =	vadd.s32 v12, v13;
	v13 =	vadd.s32 v16, v14;
	v19 =	vcvt.f32.s32 v25;
	[tilespmem:v18+s14+$0x0] =	vst.idx.add.f32.msk vm1, v2  }
.Ltmp1:
0x98: {  	v9 =	vadd.s32 v9, v11;
	vm1 =	vgt.f32 v22, $0.0e+00;
	v22 =	vadd.s32 v17, v24;
	[tilespmem:v21+s14+$0x0] =	vst.idx.add.f32.msk vm2, v2;
	(pc) =	sbr.rel @p0 .LBB2_5-.Ltmp1, $4  }
0x99: {  	v21 =	vadd.s32 v1, v10;
	v10 =	vadd.s32 v15, v20;
	v17 =	vld [tilespmem:s24+$0xFFFFFF90];
	v11 =	vadd.s32 v23, v19  }
0x9a: {  	v14 =	vadd.s32 v1, v13;
	v15 =	vadd.s32 v1, v12;
	v18 =	vadd.s32 v1, v11;
	v16 =	vld [tilespmem:s24+$0xFFFFFFD0]  }
0x9b: {  	v13 =	vadd.s32 v1, v22;
	v11 =	vadd.s32 v1, v9;
	v9 =	vadd.s32 v1, v10;
	v12 =	vld [tilespmem:s24+$0xFFFFFFF0]  }
0x9c: {  	vm4 =	vgt.f32 v7, $0.0e+00;
	vm3 =	vgt.f32 v8, $0.0e+00;
	vm2 =	vgt.f32 v4, $0.0e+00;
	s24 =	sadd.s32 $0x100, s24;
	v4 =	vld [tilespmem:s22+$0x10]  }
0x9d: {  	_ =	sdelay $0x1  }
0x9e: {  	vm6 =	vgt.f32 v5, $0.0e+00;
	vm5 =	vgt.f32 v6, $0.0e+00;
	vm7 =	vmmov vm0  }
0x9f: {  	v5 =	vld [tilespmem:s22+$0x30];
	v6 =	vmul.f32 v17, v3;
	v7 =	vshll.u32 v17, $0xA;
	vm0 =	vgt.f32 v17, $0.0e+00  }
0xa0: {  	v8 =	vld [tilespmem:s22+$0x50];
	v7 =	vand.u32 $0x400, v7;
	v10 =	vmul.f32 v16, v3;
	v17 =	vshll.u32 v16, $0xA  }
0xa1: {  	[tilespmem:v18+s15+$0x0] =	vst.idx.add.f32.msk vm1, v2;
	vm0 =	vmmov vm0;
	vm1 =	vgt.f32 v16, $0.0e+00;
	v6 =	vtrunc.f32 v6  }
0xa2: {  	v19 =	vmul.f32 v12, v3;
	v20 =	vshll.u32 v12, $0xA;
	v17 =	vand.u32 $0x400, v17  }
0xa3: {  	[tilespmem:v14+s15+$0x0] =	vst.idx.add.f32.msk vm3, v2;
	vm3 =	vgt.f32 v12, $0.0e+00;
	v10 =	vtrunc.f32 v10;
	v22 =	vmul.f32 v4, v3  }
0xa4: {  	v23 =	vshll.u32 v4, $0xA;
	v6 =	vcvt.f32.s32 v6;
	v20 =	vand.u32 $0x400, v20  }
0xa5: {  	[tilespmem:v13+s15+$0x0] =	vst.idx.add.f32.msk vm2, v2;
	vm2 =	vgt.f32 v4, $0.0e+00;
	v19 =	vtrunc.f32 v19;
	v24 =	vmul.f32 v5, v3  }
0xa6: {  	v25 =	vshll.u32 v5, $0xA;
	v26 =	vmul.f32 v8, v3;
	v27 =	vshll.u32 v8, $0xA  }
0xa7: {  	[tilespmem:v15+s15+$0x0] =	vst.idx.add.f32.msk vm4, v2;
	v10 =	vcvt.f32.s32 v10;
	v23 =	vand.u32 $0x400, v23;
	vm4 =	vgt.f32 v5, $0.0e+00  }
0xa8: {  	v22 =	vtrunc.f32 v22;
	v19 =	vcvt.f32.s32 v19;
	v41 =	vand.u32 $0x400, v25  }
0xa9: {  	v6 =	vadd.s32 v7, v6;
	v24 =	vtrunc.f32 v24;
	v26 =	vtrunc.f32 v26  }
0xaa: {  	v22 =	vcvt.f32.s32 v22;
	v10 =	vadd.s32 v17, v10;
	v6 =	vadd.s32 v1, v6  }
0xab: {  	[tilespmem:v21+s15+$0x0] =	vst.idx.add.f32.msk vm7, v2;
	v21 =	vcvt.f32.s32 v24;
	v14 =	vadd.s32 v20, v19;
	v10 =	vadd.s32 v1, v10  }
0xac: {  	v42 =	vcvt.f32.s32 v26;
	v12 =	vadd.s32 v23, v22;
	v13 =	vadd.s32 v1, v14  }
0xad: {  	v7 =	vand.u32 $0x400, v27;
	[tilespmem:v11+s15+$0x0] =	vst.idx.add.f32.msk vm6, v2;
	v4 =	vadd.s32 v41, v21;
	v11 =	vadd.s32 v1, v12  }
0xae: {  	[tilespmem:v9+s15+$0x0] =	vst.idx.add.f32.msk vm5, v2;
	vm5 =	vgt.f32 v8, $0.0e+00;
	v5 =	vadd.s32 v7, v42;
	v4 =	vadd.s32 v1, v4  }
0xaf: {  	s31 =	sshll.u32 s21, $0x1;
	v5 =	vadd.s32 v1, v5;
	[tilespmem:v6+s15+$0x0] =	vst.idx.add.f32.msk vm0, v2  }
0xb0: {  	s22 =	smin.u32 s31, $0x5;
	[tilespmem:v10+s15+$0x0] =	vst.idx.add.f32.msk vm1, v2  }
0xb1: {  	s22 =	sshll.u32 s22, $0xE;
	[tilespmem:v13+s15+$0x0] =	vst.idx.add.f32.msk vm3, v2  }
0xb2: {  	s22 =	sadd.s32 s22, s7;
	[tilespmem:v11+s15+$0x0] =	vst.idx.add.f32.msk vm2, v2  }
0xb3: {  	s22 =	sshrl.u32 s22, $0x3;
	[tilespmem:v4+s15+$0x0] =	vst.idx.add.f32.msk vm4, v2  }
0xb4: {  	s22 =	sadd.s32 s4, s22;
	[tilespmem:v5+s15+$0x0] =	vst.idx.add.f32.msk vm5, v2  }
0xb5: {  	[tilespmem:s3], [sflag:$0x1] =	stream.linear.gather [hbm4b:s22+s3], $0x4000, $0x38;
	[tilespmem:$0x18A80] =	vst v63  }
0xb6: {  	_ =	swait.ge [sflag:s16], $0x4000  }
0xb7: {  	[sflag:s16] =	ssyncset.done $0x0  }
0xb8: {  	s23 =	simm.s32 $0x4080;
	[sflag:s16] =	ssyncadd.s32 $0xFFFFC000  }
0xb9: {  	v4 =	vld [tilespmem:s23+$0x60]  }
0xba: {  	v5 =	vld [tilespmem:s23+$0xFFFFFFA0]  }
0xbb: {  	v6 =	vld [tilespmem:s23+$0xFFFFFFC0]  }
0xbc: {  	v7 =	vld [tilespmem:s23+$0xFFFFFFE0]  }
0xbd: {  	v8 =	vld [tilespmem:s23+$0x0]  }
0xbe: {  	v9 =	vld [tilespmem:s23+$0x20]  }
0xbf: {  	s22 =	simm.s32 $0x4180;
	v13 =	vld [tilespmem:s23+$0xFFFFFF80]  }
0xc0: {  	v43 =	vld [tilespmem:s22+$0x20];
	v10 =	vmul.f32 v4, v3;
	v11 =	vmul.f32 v5, v3  }
0xc1: {  	v28 =	vld [tilespmem:s22+$0xFFFFFF80];
	v12 =	vshll.u32 v5, $0xA;
	vm0 =	vgt.f32 v5, $0.0e+00;
	v14 =	vmul.f32 v6, v3  }
0xc2: {  	v15 =	vshll.u32 v6, $0xA;
	v16 =	vmul.f32 v7, v3;
	v17 =	vshll.u32 v4, $0xA  }
0xc3: {  	v18 =	vmul.f32 v8, v3;
	v19 =	vmul.f32 v9, v3;
	vm1 =	vgt.f32 v4, $0.0e+00  }
0xc4: {  	v20 =	vshll.u32 v13, $0xA;
	v21 =	vshll.u32 v7, $0xA;
	vm2 =	vgt.f32 v6, $0.0e+00  }
0xc5: {  	vm3 =	vgt.f32 v8, $0.0e+00;
	vm4 =	vgt.f32 v9, $0.0e+00;
	v34 =	vmul.f32 v43, v3  }
0xc6: {  	v48 =	vmul.f32 v28, v3;
	v35 =	vshll.u32 v28, $0xA;
	v38 =	vshll.u32 v43, $0xA  }
0xc7: {  	v5 =	vld [tilespmem:s23+$0x40];
	vm9 =	vgt.f32 v43, $0.0e+00;
	v17 =	vand.u32 $0x400, v17;
	v10 =	vtrunc.f32 v10  }
0xc8: {  	v12 =	vand.u32 $0x400, v12;
	v11 =	vtrunc.f32 v11;
	v4 =	vtrunc.f32 v14  }
0xc9: {  	v20 =	vand.u32 $0x400, v20;
	v16 =	vtrunc.f32 v16;
	v18 =	vtrunc.f32 v18  }
0xca: {  	v15 =	vand.u32 $0x400, v15;
	v34 =	vtrunc.f32 v34;
	v10 =	vcvt.f32.s32 v10  }
0xcb: {  	v21 =	vand.u32 $0x400, v21;
	v11 =	vcvt.f32.s32 v11;
	v4 =	vcvt.f32.s32 v4  }
0xcc: {  	v50 =	vand.u32 $0x400, v35;
	v16 =	vcvt.f32.s32 v16;
	v14 =	vmul.f32 v5, v3  }
0xcd: {  	v4 =	vadd.s32 v15, v4;
	v15 =	vshll.u32 v5, $0xA;
	vm5 =	vgt.f32 v5, $0.0e+00;
	v5 =	vld [tilespmem:s22+$0x60]  }
0xce: {  	v18 =	vcvt.f32.s32 v18;
	v34 =	vcvt.f32.s32 v34;
	v6 =	vadd.s32 v21, v16;
	v21 =	vld [tilespmem:s22+$0x0]  }
0xcf: {  	v10 =	vadd.s32 v17, v10;
	v17 =	vmul.f32 v13, v3;
	v11 =	vadd.s32 v12, v11  }
0xd0: {  	v12 =	vshll.u32 v8, $0xA;
	v8 =	vtrunc.f32 v19;
	v10 =	vadd.s32 v1, v10  }
0xd1: {  	v11 =	vadd.s32 v1, v11;
	v4 =	vadd.s32 v1, v4;
	v17 =	vtrunc.f32 v17  }
0xd2: {  	v6 =	vadd.s32 v1, v6;
	v8 =	vcvt.f32.s32 v8;
	v17 =	vcvt.f32.s32 v17  }
0xd3: {  	v44 =	vmul.f32 v5, v3;
	v32 =	vshll.u32 v5, $0xA;
	v33 =	vmul.f32 v21, v3  }
0xd4: {  	vm6 =	vgt.f32 v5, $0.0e+00;
	v37 =	vshll.u32 v21, $0xA;
	vm8 =	vgt.f32 v21, $0.0e+00  }
0xd5: {  	[tilespmem:v10+s14+$0x0] =	vst.idx.add.f32.msk vm1, v2;
	v10 =	vand.u32 $0x400, v12;
	v12 =	vadd.s32 v20, v17;
	vm1 =	vgt.f32 v13, $0.0e+00  }
0xd6: {  	[tilespmem:v11+s14+$0x0] =	vst.idx.add.f32.msk vm0, v2;
	vm0 =	vgt.f32 v7, $0.0e+00;
	v32 =	vand.u32 $0x400, v32;
	v12 =	vadd.s32 v1, v12  }
0xd7: {  	v13 =	vld [tilespmem:s23+$0x70];
	v7 =	vadd.s32 v10, v18;
	v10 =	vtrunc.f32 v14;
	v25 =	vtrunc.f32 v44  }
0xd8: {  	v54 =	vand.u32 $0x400, v37;
	v11 =	vld [tilespmem:s23+$0xFFFFFFB0];
	v33 =	vtrunc.f32 v33;
	v25 =	vcvt.f32.s32 v25  }
0xd9: {  	v14 =	vshll.u32 v9, $0xA;
	v18 =	vld [tilespmem:s22+$0xFFFFFFE0];
	v7 =	vadd.s32 v1, v7;
	v33 =	vcvt.f32.s32 v33  }
0xda: {  	v10 =	vcvt.f32.s32 v10;
	v25 =	vadd.s32 v32, v25;
	v32 =	vtrunc.f32 v48  }
0xdb: {  	v56 =	vadd.s32 v54, v33;
	v25 =	vadd.s32 v1, v25;
	v32 =	vcvt.f32.s32 v32  }
0xdc: {  	v16 =	vmul.f32 v13, v3;
	[tilespmem:v12+s14+$0x0] =	vst.idx.add.f32.msk vm1, v2;
	v12 =	vand.u32 $0x400, v14;
	v14 =	vand.u32 $0x400, v15  }
0xdd: {  	[tilespmem:v4+s14+$0x0] =	vst.idx.add.f32.msk vm2, v2;
	v15 =	vshll.u32 v11, $0xA;
	vm1 =	vgt.f32 v13, $0.0e+00;
	vm2 =	vgt.f32 v11, $0.0e+00  }
0xde: {  	[tilespmem:v6+s14+$0x0] =	vst.idx.add.f32.msk vm0, v2;
	v31 =	vmul.f32 v18, v3;
	v36 =	vshll.u32 v18, $0xA;
	vm7 =	vgt.f32 v18, $0.0e+00  }
0xdf: {  	v4 =	vadd.s32 v12, v8;
	v12 =	vmul.f32 v11, v3;
	v6 =	vadd.s32 v14, v10  }
0xe0: {  	[tilespmem:v7+s14+$0x0] =	vst.idx.add.f32.msk vm3, v2;
	v7 =	vshll.u32 v13, $0xA;
	v13 =	vand.u32 $0x400, v15;
	v8 =	vtrunc.f32 v16  }
0xe1: {  	v11 =	vld [tilespmem:s22+$0xFFFFFFA0];
	v4 =	vadd.s32 v1, v4;
	v6 =	vadd.s32 v1, v6;
	v31 =	vtrunc.f32 v31  }
0xe2: {  	v14 =	vand.u32 $0x400, v7;
	v7 =	vld [tilespmem:s23+$0xFFFFFFD0];
	v8 =	vcvt.f32.s32 v8;
	v10 =	vtrunc.f32 v12  }
0xe3: {  	v12 =	vld [tilespmem:s23+$0xFFFFFF90];
	v49 =	vcvt.f32.s32 v31;
	v31 =	vadd.s32 v50, v32;
	v10 =	vcvt.f32.s32 v10  }
0xe4: {  	v53 =	vand.u32 $0x400, v36;
	[tilespmem:v25+s14+$0x0] =	vst.idx.add.f32.msk vm6, v2;
	v58 =	vadd.s32 v1, v31;
	v14 =	vadd.s32 v14, v8  }
0xe5: {  	v8 =	vld [tilespmem:s23+$0xFFFFFFF0];
	v25 =	vadd.s32 v53, v49;
	v14 =	vadd.s32 v1, v14;
	v9 =	vadd.s32 v13, v10  }
0xe6: {  	v52 =	vld [tilespmem:s22+$0x70];
	v45 =	vmul.f32 v11, v3;
	v46 =	vshll.u32 v11, $0xA;
	vm3 =	vgt.f32 v11, $0.0e+00  }
0xe7: {  	v10 =	vld [tilespmem:s23+$0x10];
	v25 =	vadd.s32 v1, v25;
	v9 =	vadd.s32 v1, v9;
	v16 =	vmul.f32 v7, v3  }
0xe8: {  	v17 =	vshll.u32 v7, $0xA;
	v27 =	vand.u32 $0x400, v46;
	[tilespmem:v6+s14+$0x0] =	vst.idx.add.f32.msk vm5, v2;
	v6 =	vand.u32 $0x400, v38  }
0xe9: {  	[tilespmem:v4+s14+$0x0] =	vst.idx.add.f32.msk vm4, v2;
	vm4 =	vgt.f32 v28, $0.0e+00;
	v13 =	vmul.f32 v12, v3;
	v15 =	vshll.u32 v12, $0xA  }
0xea: {  	v11 =	vld [tilespmem:s22+$0x40];
	vm0 =	vgt.f32 v12, $0.0e+00;
	v17 =	vand.u32 $0x400, v17;
	v26 =	vtrunc.f32 v45  }
0xeb: {  	v57 =	vadd.s32 v6, v34;
	v16 =	vtrunc.f32 v16;
	v26 =	vcvt.f32.s32 v26  }
0xec: {  	v15 =	vand.u32 $0x400, v15;
	v13 =	vtrunc.f32 v13;
	v19 =	vmul.f32 v8, v3  }
0xed: {  	v12 =	vld [tilespmem:s22+$0xFFFFFFC0];
	v20 =	vshll.u32 v8, $0xA;
	v6 =	vmul.f32 v52, v3;
	v61 =	vshll.u32 v52, $0xA  }
0xee: {  	vm6 =	vgt.f32 v52, $0.0e+00;
	v16 =	vcvt.f32.s32 v16;
	v22 =	vmul.f32 v10, v3  }
0xef: {  	v23 =	vshll.u32 v10, $0xA;
	v47 =	vmul.f32 v11, v3;
	v51 =	vshll.u32 v11, $0xA  }
0xf0: {  	v26 =	vadd.s32 v27, v26;
	v62 =	vand.u32 $0x400, v61;
	v20 =	vand.u32 $0x400, v20  }
0xf1: {  	v19 =	vtrunc.f32 v19;
	v26 =	vadd.s32 v1, v26;
	v60 =	vtrunc.f32 v6  }
0xf2: {  	v55 =	vand.u32 $0x400, v51;
	[tilespmem:v9+s15+$0x0] =	vst.idx.add.f32.msk vm2, v2;
	v9 =	vcvt.f32.s32 v13;
	v29 =	vmul.f32 v12, v3  }
0xf3: {  	[tilespmem:v14+s15+$0x0] =	vst.idx.add.f32.msk vm1, v2;
	vm2 =	vgt.f32 v10, $0.0e+00;
	v30 =	vshll.u32 v12, $0xA;
	v33 =	vcvt.f32.s32 v60  }
0xf4: {  	v6 =	vld [tilespmem:s23+$0x50];
	vm5 =	vgt.f32 v12, $0.0e+00;
	v14 =	vtrunc.f32 v22;
	v5 =	vtrunc.f32 v29  }
0xf5: {  	[tilespmem:v58+s14+$0x0] =	vst.idx.add.f32.msk vm4, v2;
	vm4 =	vgt.f32 v7, $0.0e+00;
	v12 =	vadd.s32 v62, v33;
	v5 =	vcvt.f32.s32 v5  }
0xf6: {  	v30 =	vand.u32 $0x400, v30;
	v14 =	vcvt.f32.s32 v14;
	v12 =	vadd.s32 v1, v12;
	[tilespmem:v26+s14+$0x0] =	vst.idx.add.f32.msk vm3, v2  }
0xf7: {  	v9 =	vadd.s32 v15, v9;
	v29 =	vtrunc.f32 v47;
	v5 =	vadd.s32 v30, v5;
	v18 =	vld [tilespmem:s22+$0xFFFFFFB0]  }
0xf8: {  	v4 =	vcvt.f32.s32 v29;
	v29 =	vadd.s32 v1, v56;
	v59 =	vadd.s32 v1, v5;
	v5 =	vld [tilespmem:s23+$0x30]  }
0xf9: {  	v22 =	vmul.f32 v6, v3;
	v13 =	vshll.u32 v6, $0xA;
	v30 =	vadd.s32 v1, v57  }
0xfa: {  	vm3 =	vgt.f32 v11, $0.0e+00;
	v4 =	vadd.s32 v55, v4;
	v13 =	vand.u32 $0x400, v13  }
0xfb: {  	v4 =	vadd.s32 v1, v4;
	v22 =	vtrunc.f32 v22;
	[tilespmem:v12+s15+$0x0] =	vst.idx.add.f32.msk vm6, v2;
	v12 =	vcvt.f32.s32 v19  }
0xfc: {  	[tilespmem:v25+s14+$0x0] =	vst.idx.add.f32.msk vm7, v2;
	v22 =	vcvt.f32.s32 v22;
	v19 =	vand.u32 $0x400, v23;
	v23 =	vmul.f32 v18, v3  }
0xfd: {  	[tilespmem:v29+s14+$0x0] =	vst.idx.add.f32.msk vm8, v2;
	v63 =	vshll.u32 v18, $0xA;
	v12 =	vadd.s32 v20, v12;
	v11 =	vmul.f32 v5, v3  }
0xfe: {  	[tilespmem:v30+s14+$0x0] =	vst.idx.add.f32.msk vm9, v2;
	vm1 =	vgt.f32 v18, $0.0e+00;
	v21 =	vshll.u32 v5, $0xA;
	v23 =	vtrunc.f32 v23  }
0xff: {  	[tilespmem:v59+s14+$0x0] =	vst.idx.add.f32.msk vm5, v2;
	v24 =	vand.u32 $0x400, v63;
	v11 =	vtrunc.f32 v11;
	v15 =	vcvt.f32.s32 v23  }
0x100: {  	[tilespmem:v4+s14+$0x0] =	vst.idx.add.f32.msk vm3, v2;
	v4 =	vadd.s32 v19, v14;
	vm3 =	vgt.f32 v8, $0.0e+00;
	v11 =	vcvt.f32.s32 v11  }
0x101: {  	v21 =	vand.u32 $0x400, v21;
	v23 =	vadd.s32 v17, v16;
	v17 =	vld [tilespmem:s22+$0xFFFFFF90];
	v14 =	vadd.s32 v24, v15  }
0x102: {  	v16 =	vld [tilespmem:s22+$0xFFFFFFD0];
	v15 =	vadd.s32 v1, v23;
	v11 =	vadd.s32 v21, v11;
	v21 =	vadd.s32 v1, v9  }
0x103: {  	v9 =	vadd.s32 v13, v22;
	v18 =	vadd.s32 v1, v14;
	v14 =	vadd.s32 v1, v12;
	v12 =	vld [tilespmem:s22+$0xFFFFFFF0]  }
0x104: {  	s24 =	simm.s32 $0x4280;
	s23 =	simm.s32 $0x10;
	v13 =	vadd.s32 v1, v4;
	v4 =	vld [tilespmem:s22+$0x10];
	v11 =	vadd.s32 v1, v11;
	v9 =	vadd.s32 v1, v9  }
.LBB2_7:
0x105: {  	v22 =	vld [tilespmem:s24+$0x60];
	s23 =	sadd.s32 $0x10, s23;
	vm7 =	vgt.f32 v5, $0.0e+00;
	vm6 =	vgt.f32 v6, $0.0e+00;
	vm8 =	vmmov vm0  }
0x106: {  	v5 =	vld [tilespmem:s24+$0xFFFFFFA0];
	p0 =	slt.u32 s23, $0x3F0;
	v6 =	vmul.f32 v17, v3;
	v20 =	vshll.u32 v17, $0xA;
	vm0 =	vgt.f32 v17, $0.0e+00  }
0x107: {  	v23 =	vld [tilespmem:s24+$0xFFFFFFC0];
	v10 =	vand.u32 $0x400, v20;
	v17 =	vmul.f32 v16, v3;
	v24 =	vshll.u32 v16, $0xA;
	v7 =	vmovc v16  }
0x108: {  	v25 =	vld [tilespmem:s24+$0xFFFFFFE0];
	v19 =	vtrunc.f32 v6;
	v6 =	vmul.f32 v12, v3;
	v16 =	vshll.u32 v12, $0xA;
	v8 =	vmovc v12  }
0x109: {  	v26 =	vld [tilespmem:s24+$0x0];
	v20 =	vtrunc.f32 v17;
	v27 =	vmul.f32 v4, v3;
	v17 =	vshll.u32 v4, $0xA  }
0x10a: {  	v12 =	vand.u32 $0x400, v24;
	v28 =	vld [tilespmem:s24+$0x20];
	v29 =	vmul.f32 v22, v3;
	v24 =	vtrunc.f32 v6  }
0x10b: {  	v6 =	vmul.f32 v5, v3;
	v30 =	vshll.u32 v5, $0xA;
	vm5 =	vgt.f32 v5, $0.0e+00;
	v31 =	vld [tilespmem:s24+$0x40]  }
0x10c: {  	v32 =	vld [tilespmem:s24+$0xFFFFFF80];
	v33 =	vmul.f32 v23, v3;
	v34 =	vshll.u32 v23, $0xA;
	v5 =	vtrunc.f32 v29  }
0x10d: {  	v36 =	vshll.u32 v22, $0xA;
	v29 =	vmul.f32 v25, v3;
	v35 =	vcvt.f32.s32 v5;
	v5 =	vld [tilespmem:s22+$0x30]  }
0x10e: {  	v36 =	vand.u32 $0x400, v36;
	v37 =	vtrunc.f32 v6;
	v38 =	vmul.f32 v26, v3;
	v6 =	vld [tilespmem:s22+$0x50];
	s22 =	smov.u32 s24  }
0x10f: {  	vm9 =	vgt.f32 v22, $0.0e+00;
	v39 =	vmul.f32 v28, v3;
	v35 =	vadd.s32 v36, v35;
	[tilespmem:v21+s15+$0x0] =	vst.idx.add.f32.msk vm8, v2  }
0x110: {  	v21 =	vtrunc.f32 v33;
	v22 =	vmul.f32 v31, v3;
	v33 =	vadd.s32 v1, v35;
	[tilespmem:v18+s15+$0x0] =	vst.idx.add.f32.msk vm1, v2  }
0x111: {  	v29 =	vtrunc.f32 v29;
	v18 =	vmul.f32 v32, v3;
	v35 =	vshll.u32 v32, $0xA;
	[tilespmem:v15+s15+$0x0] =	vst.idx.add.f32.msk vm4, v2  }
0x112: {  	v36 =	vtrunc.f32 v38;
	v15 =	vshll.u32 v25, $0xA;
	v38 =	vtrunc.f32 v39;
	[tilespmem:v14+s15+$0x0] =	vst.idx.add.f32.msk vm3, v2  }
0x113: {  	v22 =	vtrunc.f32 v22;
	v14 =	vtrunc.f32 v18;
	v18 =	vshll.u32 v26, $0xA;
	[tilespmem:v13+s15+$0x0] =	vst.idx.add.f32.msk vm2, v2  }
0x114: {  	v13 =	vcvt.f32.s32 v14;
	v14 =	vcvt.f32.s32 v37;
	v37 =	vshll.u32 v28, $0xA;
	[tilespmem:v11+s15+$0x0] =	vst.idx.add.f32.msk vm7, v2  }
0x115: {  	v11 =	vcvt.f32.s32 v21;
	v21 =	vcvt.f32.s32 v29;
	v29 =	vshll.u32 v31, $0xA;
	[tilespmem:v33+s14+$0x0] =	vst.idx.add.f32.msk vm9, v2  }
0x116: {  	v33 =	vand.u32 $0x400, v35;
	v35 =	vcvt.f32.s32 v36;
	v36 =	vcvt.f32.s32 v38;
	v38 =	vld [tilespmem:s24+$0x70]  }
0x117: {  	v30 =	vand.u32 $0x400, v30;
	v34 =	vand.u32 $0x400, v34;
	v22 =	vcvt.f32.s32 v22;
	[tilespmem:v9+s15+$0x0] =	vst.idx.add.f32.msk vm6, v2  }
0x118: {  	v9 =	vand.u32 $0x400, v15;
	v15 =	vand.u32 $0x400, v18;
	v18 =	vand.u32 $0x400, v37  }
0x119: {  	v29 =	vand.u32 $0x400, v29;
	v13 =	vadd.s32 v33, v13;
	v14 =	vadd.s32 v30, v14  }
0x11a: {  	v11 =	vadd.s32 v34, v11;
	v9 =	vadd.s32 v9, v21;
	v15 =	vadd.s32 v15, v35  }
0x11b: {  	v18 =	vadd.s32 v18, v36;
	v21 =	vadd.s32 v29, v22;
	v22 =	vmul.f32 v38, v3  }
0x11c: {  	v13 =	vadd.s32 v1, v13;
	v14 =	vadd.s32 v1, v14;
	v11 =	vadd.s32 v1, v11  }
0x11d: {  	v9 =	vadd.s32 v1, v9;
	v15 =	vadd.s32 v1, v15;
	v22 =	vtrunc.f32 v22  }
0x11e: {  	v18 =	vadd.s32 v1, v18;
	v29 =	vshll.u32 v38, $0xA;
	v22 =	vcvt.f32.s32 v22  }
0x11f: {  	vm6 =	vgt.f32 v32, $0.0e+00;
	v21 =	vadd.s32 v1, v21;
	v29 =	vand.u32 $0x400, v29  }
0x120: {  	vm4 =	vgt.f32 v23, $0.0e+00;
	vm7 =	vgt.f32 v38, $0.0e+00;
	v22 =	vadd.s32 v29, v22  }
0x121: {  	vm3 =	vgt.f32 v26, $0.0e+00;
	[tilespmem:v14+s14+$0x0] =	vst.idx.add.f32.msk vm5, v2;
	vm5 =	vgt.f32 v25, $0.0e+00;
	v14 =	vadd.s32 v1, v22  }
0x122: {  	vm1 =	vgt.f32 v28, $0.0e+00;
	v23 =	vmul.f32 v5, v3;
	vm2 =	vgt.f32 v31, $0.0e+00;
	v22 =	vld [tilespmem:s24+$0xFFFFFFB0]  }
0x123: {  	v26 =	vshll.u32 v5, $0xA;
	v25 =	vtrunc.f32 v27;
	v27 =	vmul.f32 v6, v3  }
0x124: {  	v19 =	vcvt.f32.s32 v19;
	v23 =	vtrunc.f32 v23;
	v28 =	vshll.u32 v6, $0xA  }
0x125: {  	v16 =	vand.u32 $0x400, v16;
	[tilespmem:v13+s14+$0x0] =	vst.idx.add.f32.msk vm6, v2;
	v13 =	vcvt.f32.s32 v20;
	v20 =	vtrunc.f32 v27  }
0x126: {  	v17 =	vand.u32 $0x400, v17;
	[tilespmem:v14+s15+$0x0] =	vst.idx.add.f32.msk vm7, v2;
	v14 =	vcvt.f32.s32 v24;
	v24 =	vcvt.f32.s32 v25  }
0x127: {  	v25 =	vmul.f32 v22, v3;
	v27 =	vshll.u32 v22, $0xA;
	[tilespmem:v11+s14+$0x0] =	vst.idx.add.f32.msk vm4, v2;
	v11 =	vcvt.f32.s32 v23  }
0x128: {  	v20 =	vcvt.f32.s32 v20;
	v23 =	vand.u32 $0x400, v27;
	[tilespmem:v9+s14+$0x0] =	vst.idx.add.f32.msk vm5, v2;
	v9 =	vand.u32 $0x400, v26  }
0x129: {  	v10 =	vadd.s32 v10, v19;
	v25 =	vtrunc.f32 v25;
	[tilespmem:v15+s14+$0x0] =	vst.idx.add.f32.msk vm3, v2;
	v15 =	vand.u32 $0x400, v28  }
0x12a: {  	v12 =	vadd.s32 v12, v13;
	v13 =	vadd.s32 v16, v14;
	v19 =	vcvt.f32.s32 v25;
	[tilespmem:v18+s14+$0x0] =	vst.idx.add.f32.msk vm1, v2  }
.Ltmp2:
0x12b: {  	v9 =	vadd.s32 v9, v11;
	vm1 =	vgt.f32 v22, $0.0e+00;
	v22 =	vadd.s32 v17, v24;
	[tilespmem:v21+s14+$0x0] =	vst.idx.add.f32.msk vm2, v2;
	(pc) =	sbr.rel @p0 .LBB2_7-.Ltmp2, $4  }
0x12c: {  	v21 =	vadd.s32 v1, v10;
	v10 =	vadd.s32 v15, v20;
	v17 =	vld [tilespmem:s24+$0xFFFFFF90];
	v11 =	vadd.s32 v23, v19  }
0x12d: {  	v14 =	vadd.s32 v1, v13;
	v15 =	vadd.s32 v1, v12;
	v18 =	vadd.s32 v1, v11;
	v16 =	vld [tilespmem:s24+$0xFFFFFFD0]  }
0x12e: {  	v13 =	vadd.s32 v1, v22;
	v11 =	vadd.s32 v1, v9;
	v9 =	vadd.s32 v1, v10;
	v12 =	vld [tilespmem:s24+$0xFFFFFFF0]  }
0x12f: {  	vm4 =	vgt.f32 v7, $0.0e+00;
	vm3 =	vgt.f32 v8, $0.0e+00;
	vm2 =	vgt.f32 v4, $0.0e+00;
	s24 =	sadd.s32 $0x100, s24;
	v4 =	vld [tilespmem:s22+$0x10]  }
0x130: {  	vm6 =	vgt.f32 v5, $0.0e+00;
	vm5 =	vgt.f32 v6, $0.0e+00  }
0x131: {  	vm0 =	vmmov vm0;
	v53 =	vmul.f32 v17, v3;
	v7 =	vshll.u32 v17, $0xA  }
0x132: {  	v5 =	vld [tilespmem:s22+$0x30];
	vm7 =	vgt.f32 v17, $0.0e+00;
	v8 =	vmul.f32 v16, v3;
	v7 =	vand.u32 $0x400, v7  }
0x133: {  	v10 =	vld [tilespmem:s22+$0x50];
	v19 =	vshll.u32 v16, $0xA;
	vm11 =	vgt.f32 v16, $0.0e+00;
	v54 =	vmul.f32 v12, v3  }
0x134: {  	v6 =	vtrunc.f32 v53;
	v20 =	vshll.u32 v12, $0xA;
	v19 =	vand.u32 $0x400, v19  }
0x135: {  	vm12 =	vgt.f32 v12, $0.0e+00;
	v8 =	vtrunc.f32 v8;
	v22 =	vmul.f32 v4, v3  }
0x136: {  	v23 =	vshll.u32 v4, $0xA;
	v6 =	vcvt.f32.s32 v6;
	v20 =	vand.u32 $0x400, v20  }
0x137: {  	vm13 =	vgt.f32 v4, $0.0e+00;
	v17 =	vtrunc.f32 v54;
	v24 =	vmul.f32 v5, v3  }
0x138: {  	v25 =	vmul.f32 v10, v3;
	v26 =	vshll.u32 v5, $0xA;
	v55 =	vshll.u32 v10, $0xA  }
0x139: {  	v8 =	vcvt.f32.s32 v8;
	v56 =	vand.u32 $0x400, v23;
	vm14 =	vgt.f32 v5, $0.0e+00  }
0x13a: {  	[tilespmem:v18+s15+$0x0] =	vst.idx.add.f32.msk vm1, v2;
	v22 =	vtrunc.f32 v22;
	v6 =	vadd.s32 v7, v6;
	v17 =	vcvt.f32.s32 v17  }
0x13b: {  	[tilespmem:v15+s15+$0x0] =	vst.idx.add.f32.msk vm4, v2;
	v58 =	vand.u32 $0x400, v26;
	v24 =	vtrunc.f32 v24;
	v25 =	vtrunc.f32 v25  }
0x13c: {  	[tilespmem:v14+s15+$0x0] =	vst.idx.add.f32.msk vm3, v2;
	v22 =	vcvt.f32.s32 v22;
	v8 =	vadd.s32 v19, v8;
	v6 =	vadd.s32 v1, v6  }
0x13d: {  	[tilespmem:v13+s15+$0x0] =	vst.idx.add.f32.msk vm2, v2;
	v57 =	vcvt.f32.s32 v24;
	v60 =	vadd.s32 v20, v17;
	v8 =	vadd.s32 v1, v8  }
0x13e: {  	[tilespmem:v21+s15+$0x0] =	vst.idx.add.f32.msk vm0, v2;
	v59 =	vcvt.f32.s32 v25;
	v61 =	vadd.s32 v56, v22;
	v62 =	vadd.s32 v1, v60  }
0x13f: {  	v7 =	vand.u32 $0x400, v55;
	[tilespmem:v11+s15+$0x0] =	vst.idx.add.f32.msk vm6, v2;
	v4 =	vadd.s32 v58, v57;
	v63 =	vadd.s32 v1, v61  }
0x140: {  	s21 =	sadd.s32 $0x1, s21;
	vm15 =	vgt.f32 v10, $0.0e+00;
	[tilespmem:v9+s15+$0x0] =	vst.idx.add.f32.msk vm5, v2;
	v5 =	vadd.s32 v7, v59;
	v4 =	vadd.s32 v1, v4  }
0x141: {  	p0 =	sne.s32 s21, $0x4;
	v5 =	vadd.s32 v1, v5;
	[tilespmem:v6+s15+$0x0] =	vst.idx.add.f32.msk vm7, v2  }
.Ltmp3:
0x142: {  	[tilespmem:v8+s15+$0x0] =	vst.idx.add.f32.msk vm11, v2;
	(pc) =	sbr.rel @p0 .LBB2_4-.Ltmp3, $4  }
0x143: {  	[tilespmem:v62+s15+$0x0] =	vst.idx.add.f32.msk vm12, v2  }
0x144: {  	[tilespmem:v63+s15+$0x0] =	vst.idx.add.f32.msk vm13, v2  }
0x145: {  	[tilespmem:v4+s15+$0x0] =	vst.idx.add.f32.msk vm14, v2  }
0x146: {  	vm10 =	vmmov vm7;
	[tilespmem:v5+s15+$0x0] =	vst.idx.add.f32.msk vm15, v2  }
0x147: {  	_ =	swait.ge [sflag:s13], $0x4000  }
0x148: {  	[sflag:s13] =	ssyncset.done $0x0  }
0x149: {  	s22 =	simm.s32 $0x0;
	[sflag:s13] =	ssyncadd.s32 $0xFFFFC000  }
0x14a: {  	v3 =	vld [tilespmem:s22+$0x8080];
	_ =	sdelay $0x1  }
0x14b: {  	v4 =	vld [tilespmem:s22+$0x10180];
	_ =	sdelay $0x1  }
0x14c: {  	v5 =	vld [tilespmem:s22+$0x8891]  }
0x14d: {  	v3 =	vadd.f32 $0.0e+00, v3  }
0x14e: {  	v6 =	vld [tilespmem:s22+$0x10991]  }
0x14f: {  	v3 =	vadd.f32 v4, v3  }
0x150: {  	v4 =	vld [tilespmem:s22+$0x90A2]  }
0x151: {  	v3 =	vadd.f32 v5, v3  }
0x152: {  	v5 =	vld [tilespmem:s22+$0x111A2]  }
0x153: {  	v3 =	vadd.f32 v6, v3  }
0x154: {  	v6 =	vld [tilespmem:s22+$0x98B3]  }
0x155: {  	v3 =	vadd.f32 v4, v3  }
0x156: {  	v4 =	vld [tilespmem:s22+$0x119B3]  }
0x157: {  	v3 =	vadd.f32 v5, v3  }
0x158: {  	v5 =	vld [tilespmem:s22+$0xA0C4]  }
0x159: {  	v3 =	vadd.f32 v6, v3  }
0x15a: {  	v6 =	vld [tilespmem:s22+$0x121C4]  }
0x15b: {  	v3 =	vadd.f32 v4, v3  }
0x15c: {  	v4 =	vld [tilespmem:s22+$0xA8D5]  }
0x15d: {  	v3 =	vadd.f32 v5, v3  }
0x15e: {  	v5 =	vld [tilespmem:s22+$0x129D5]  }
0x15f: {  	v3 =	vadd.f32 v6, v3  }
0x160: {  	v6 =	vld [tilespmem:s22+$0xB0E6]  }
0x161: {  	v3 =	vadd.f32 v4, v3  }
0x162: {  	v4 =	vld [tilespmem:s22+$0x131E6]  }
0x163: {  	v3 =	vadd.f32 v5, v3  }
0x164: {  	v5 =	vld [tilespmem:s22+$0xB8F7]  }
0x165: {  	v3 =	vadd.f32 v6, v3  }
0x166: {  	s21 =	simm.s32 $0x10;
	v6 =	vld [tilespmem:s22+$0x139F7]  }
0x167: {  	v7 =	vld [tilespmem:s21+$0x8080];
	v3 =	vadd.f32 v4, v3  }
0x168: {  	v4 =	vld [tilespmem:s22+$0xC108]  }
0x169: {  	v8 =	vld [tilespmem:s21+$0x10180];
	v3 =	vadd.f32 v5, v3  }
0x16a: {  	v5 =	vld [tilespmem:s22+$0x14208]  }
0x16b: {  	v9 =	vld [tilespmem:s21+$0x8891];
	v3 =	vadd.f32 v6, v3  }
0x16c: {  	v6 =	vld [tilespmem:s22+$0xC919]  }
0x16d: {  	v10 =	vld [tilespmem:s21+$0x10991];
	v7 =	vadd.f32 $0.0e+00, v7;
	v3 =	vadd.f32 v4, v3  }
0x16e: {  	v4 =	vld [tilespmem:s22+$0x14A19]  }
0x16f: {  	v7 =	vadd.f32 v8, v7;
	v8 =	vld [tilespmem:s21+$0x90A2];
	v3 =	vadd.f32 v5, v3  }
0x170: {  	v5 =	vld [tilespmem:s22+$0xD12A]  }
0x171: {  	v7 =	vadd.f32 v9, v7;
	v9 =	vld [tilespmem:s21+$0x111A2];
	v3 =	vadd.f32 v6, v3  }
0x172: {  	v6 =	vld [tilespmem:s22+$0x1522A]  }
0x173: {  	v7 =	vadd.f32 v10, v7;
	v10 =	vld [tilespmem:s21+$0x98B3];
	v3 =	vadd.f32 v4, v3  }
0x174: {  	v4 =	vld [tilespmem:s22+$0xD93B]  }
0x175: {  	v7 =	vadd.f32 v8, v7;
	v8 =	vld [tilespmem:s21+$0x119B3];
	v3 =	vadd.f32 v5, v3  }
0x176: {  	v5 =	vld [tilespmem:s22+$0x15A3B]  }
0x177: {  	v7 =	vadd.f32 v9, v7;
	v9 =	vld [tilespmem:s21+$0xA0C4];
	v3 =	vadd.f32 v6, v3  }
0x178: {  	v6 =	vld [tilespmem:s22+$0xE14C]  }
0x179: {  	v7 =	vadd.f32 v10, v7;
	v10 =	vld [tilespmem:s21+$0x121C4];
	v3 =	vadd.f32 v4, v3  }
0x17a: {  	v4 =	vld [tilespmem:s22+$0x1624C]  }
0x17b: {  	v7 =	vadd.f32 v8, v7;
	v8 =	vld [tilespmem:s21+$0xA8D5];
	v3 =	vadd.f32 v5, v3  }
0x17c: {  	v5 =	vld [tilespmem:s22+$0xE95D]  }
0x17d: {  	v7 =	vadd.f32 v9, v7;
	v9 =	vld [tilespmem:s21+$0x129D5];
	v3 =	vadd.f32 v6, v3  }
0x17e: {  	v6 =	vld [tilespmem:s22+$0x16A5D]  }
0x17f: {  	v7 =	vadd.f32 v10, v7;
	v10 =	vld [tilespmem:s21+$0xB0E6];
	v3 =	vadd.f32 v4, v3  }
0x180: {  	v4 =	vld [tilespmem:s22+$0xF16E]  }
0x181: {  	v11 =	vld [tilespmem:s22+$0x1726E];
	v7 =	vadd.f32 v8, v7;
	v3 =	vadd.f32 v5, v3  }
0x182: {  	v5 =	vld [tilespmem:s21+$0x131E6]  }
0x183: {  	v7 =	vadd.f32 v9, v7;
	v8 =	vadd.f32 v6, v3;
	v3 =	vld [tilespmem:s22+$0xF97F]  }
0x184: {  	v6 =	vld [tilespmem:s21+$0xB8F7]  }
0x185: {  	v9 =	vadd.f32 v10, v7;
	v7 =	vld [tilespmem:s21+$0x139F7];
	v10 =	vadd.f32 v4, v8  }
0x186: {  	v4 =	vld [tilespmem:s22+$0x17A7F]  }
0x187: {  	s23 =	simm.s32 $0x20;
	s24 =	simm.s32 $0xC0;
	v8 =	vadd.f32 v5, v9;
	v5 =	vld [tilespmem:s21+$0xC108];
	v9 =	vadd.f32 v11, v10  }
.LBB2_10:
0x188: {  	p0 =	sne.s32 s24, $0x1FC0;
	v10 =	vld [tilespmem:s23+$0x8080]  }
0x189: {  	v6 =	vadd.f32 v6, v8;
	v8 =	vld [tilespmem:s21+$0x14208];
	v3 =	vadd.f32 v3, v9  }
0x18a: {  	v9 =	vld [tilespmem:s23+$0x10180]  }
0x18b: {  	v6 =	vadd.f32 v7, v6;
	v7 =	vld [tilespmem:s21+$0xC919];
	v3 =	vadd.f32 v4, v3  }
0x18c: {  	v4 =	vld [tilespmem:s23+$0x8891]  }
0x18d: {  	v10 =	vadd.f32 $0.0e+00, v10;
	v5 =	vadd.f32 v5, v6;
	v6 =	vld [tilespmem:s21+$0x14A19];
	[tilespmem:s22+$0x18280] =	vst v3;
	s22 =	smov.u32 s21;
	s21 =	smov.u32 s23  }
0x18e: {  	v3 =	vld [tilespmem:s21+$0x10991]  }
0x18f: {  	v9 =	vadd.f32 v9, v10;
	v5 =	vadd.f32 v8, v5;
	v8 =	vld [tilespmem:s22+$0xD12A]  }
0x190: {  	v10 =	vld [tilespmem:s21+$0x90A2]  }
0x191: {  	v4 =	vadd.f32 v4, v9;
	v5 =	vadd.f32 v7, v5;
	v7 =	vld [tilespmem:s22+$0x1522A]  }
0x192: {  	v9 =	vld [tilespmem:s21+$0x111A2]  }
0x193: {  	v3 =	vadd.f32 v3, v4;
	v4 =	vadd.f32 v6, v5;
	v5 =	vld [tilespmem:s22+$0xD93B]  }
0x194: {  	v6 =	vld [tilespmem:s21+$0x98B3]  }
0x195: {  	v3 =	vadd.f32 v10, v3;
	v4 =	vadd.f32 v8, v4;
	v8 =	vld [tilespmem:s22+$0x15A3B]  }
0x196: {  	v10 =	vld [tilespmem:s21+$0x119B3]  }
0x197: {  	v3 =	vadd.f32 v9, v3;
	v4 =	vadd.f32 v7, v4;
	v7 =	vld [tilespmem:s22+$0xE14C]  }
0x198: {  	v9 =	vld [tilespmem:s21+$0xA0C4]  }
0x199: {  	v3 =	vadd.f32 v6, v3;
	v4 =	vadd.f32 v5, v4;
	v5 =	vld [tilespmem:s22+$0x1624C]  }
0x19a: {  	v6 =	vld [tilespmem:s21+$0x121C4]  }
0x19b: {  	v3 =	vadd.f32 v10, v3;
	v4 =	vadd.f32 v8, v4;
	v8 =	vld [tilespmem:s22+$0xE95D]  }
0x19c: {  	v10 =	vld [tilespmem:s21+$0xA8D5]  }
0x19d: {  	v3 =	vadd.f32 v9, v3;
	v4 =	vadd.f32 v7, v4;
	v7 =	vld [tilespmem:s22+$0x16A5D]  }
0x19e: {  	v9 =	vld [tilespmem:s21+$0x129D5]  }
0x19f: {  	v3 =	vadd.f32 v6, v3;
	v4 =	vadd.f32 v5, v4;
	v5 =	vld [tilespmem:s22+$0xF16E]  }
0x1a0: {  	v11 =	vld [tilespmem:s21+$0xB0E6]  }
0x1a1: {  	v3 =	vadd.f32 v10, v3;
	v4 =	vadd.f32 v8, v4;
	v10 =	vld [tilespmem:s22+$0x1726E]  }
0x1a2: {  	v8 =	vld [tilespmem:s21+$0x131E6]  }
.Ltmp4:
0x1a3: {  	v9 =	vadd.f32 v9, v3;
	v4 =	vadd.f32 v7, v4;
	v3 =	vld [tilespmem:s22+$0xF97F];
	(pc) =	sbr.rel @p0 .LBB2_10-.Ltmp4, $4  }
0x1a4: {  	v6 =	vld [tilespmem:s21+$0xB8F7]  }
0x1a5: {  	v9 =	vadd.f32 v11, v9;
	v11 =	vadd.f32 v5, v4;
	v4 =	vld [tilespmem:s22+$0x17A7F]  }
0x1a6: {  	v7 =	vld [tilespmem:s21+$0x139F7]  }
0x1a7: {  	s23 =	sshra.s32 s24, $0x2;
	s24 =	sadd.s32 $0x40, s24;
	v8 =	vadd.f32 v8, v9;
	v5 =	vld [tilespmem:s21+$0xC108];
	v9 =	vadd.f32 v10, v11  }
0x1a8: {  	v10 =	vld [tilespmem:s23+$0x8080]  }
0x1a9: {  	v11 =	vld [tilespmem:s21+$0x14208];
	v3 =	vadd.f32 v3, v9  }
0x1aa: {  	v20 =	vld [tilespmem:s23+$0x10180]  }
0x1ab: {  	v12 =	vld [tilespmem:s21+$0xC919];
	v6 =	vadd.f32 v6, v8;
	v3 =	vadd.f32 v4, v3  }
0x1ac: {  	v21 =	vld [tilespmem:s23+$0x8891]  }
0x1ad: {  	v22 =	vld [tilespmem:s21+$0x14A19];
	v6 =	vadd.f32 v7, v6;
	v23 =	vadd.f32 $0.0e+00, v10;
	[tilespmem:s22+$0x18280] =	vst v3  }
0x1ae: {  	v3 =	vld [tilespmem:s23+$0x10991]  }
0x1af: {  	v5 =	vadd.f32 v5, v6;
	v24 =	vadd.f32 v20, v23  }
0x1b0: {  	v25 =	vld [tilespmem:s23+$0x90A2]  }
0x1b1: {  	v26 =	vld [tilespmem:s21+$0xD12A];
	v5 =	vadd.f32 v11, v5;
	v4 =	vadd.f32 v21, v24  }
0x1b2: {  	v27 =	vld [tilespmem:s23+$0x111A2]  }
0x1b3: {  	v28 =	vld [tilespmem:s21+$0x1522A];
	v5 =	vadd.f32 v12, v5;
	v3 =	vadd.f32 v3, v4  }
0x1b4: {  	v29 =	vld [tilespmem:s23+$0x98B3]  }
0x1b5: {  	v30 =	vld [tilespmem:s21+$0xD93B];
	v5 =	vadd.f32 v22, v5;
	v3 =	vadd.f32 v25, v3  }
0x1b6: {  	v31 =	vld [tilespmem:s23+$0x119B3]  }
0x1b7: {  	v32 =	vld [tilespmem:s21+$0x15A3B];
	v5 =	vadd.f32 v26, v5;
	v3 =	vadd.f32 v27, v3  }
0x1b8: {  	v33 =	vld [tilespmem:s23+$0xA0C4]  }
0x1b9: {  	v34 =	vld [tilespmem:s21+$0xE14C];
	v5 =	vadd.f32 v28, v5;
	v3 =	vadd.f32 v29, v3  }
0x1ba: {  	v35 =	vld [tilespmem:s23+$0x121C4]  }
0x1bb: {  	v36 =	vld [tilespmem:s21+$0x1624C];
	v5 =	vadd.f32 v30, v5;
	v3 =	vadd.f32 v31, v3  }
0x1bc: {  	v37 =	vld [tilespmem:s23+$0xA8D5]  }
0x1bd: {  	v38 =	vld [tilespmem:s21+$0xE95D];
	v5 =	vadd.f32 v32, v5;
	v3 =	vadd.f32 v33, v3  }
0x1be: {  	v39 =	vld [tilespmem:s23+$0x129D5]  }
0x1bf: {  	v40 =	vld [tilespmem:s21+$0x16A5D];
	v5 =	vadd.f32 v34, v5;
	v3 =	vadd.f32 v35, v3  }
0x1c0: {  	v41 =	vld [tilespmem:s23+$0xB0E6]  }
0x1c1: {  	v42 =	vld [tilespmem:s21+$0xF16E];
	v5 =	vadd.f32 v36, v5;
	v3 =	vadd.f32 v37, v3  }
0x1c2: {  	v43 =	vld [tilespmem:s23+$0x131E6]  }
0x1c3: {  	v44 =	vld [tilespmem:s21+$0x1726E];
	v5 =	vadd.f32 v38, v5;
	v3 =	vadd.f32 v39, v3  }
0x1c4: {  	v45 =	vld [tilespmem:s23+$0xB8F7]  }
0x1c5: {  	v46 =	vld [tilespmem:s21+$0xF97F];
	v5 =	vadd.f32 v40, v5;
	v3 =	vadd.f32 v41, v3  }
0x1c6: {  	v47 =	vld [tilespmem:s23+$0x139F7]  }
0x1c7: {  	v48 =	vld [tilespmem:s21+$0x17A7F];
	v5 =	vadd.f32 v42, v5;
	v3 =	vadd.f32 v43, v3  }
0x1c8: {  	v49 =	vld [tilespmem:s23+$0xC108]  }
0x1c9: {  	v5 =	vadd.f32 v44, v5;
	v3 =	vadd.f32 v45, v3  }
0x1ca: {  	v50 =	vld [tilespmem:s23+$0x14208]  }
0x1cb: {  	v5 =	vadd.f32 v46, v5;
	v3 =	vadd.f32 v47, v3  }
0x1cc: {  	v51 =	vld [tilespmem:s23+$0xC919]  }
0x1cd: {  	v5 =	vadd.f32 v48, v5;
	v3 =	vadd.f32 v49, v3  }
0x1ce: {  	v52 =	vld [tilespmem:s23+$0x14A19]  }
0x1cf: {  	[tilespmem:s21+$0x18280] =	vst v5;
	v3 =	vadd.f32 v50, v3  }
0x1d0: {  	v5 =	vld [tilespmem:s23+$0xD12A]  }
0x1d1: {  	v3 =	vadd.f32 v51, v3  }
0x1d2: {  	v53 =	vld [tilespmem:s23+$0x1522A]  }
0x1d3: {  	v3 =	vadd.f32 v52, v3  }
0x1d4: {  	v54 =	vld [tilespmem:s23+$0xD93B]  }
0x1d5: {  	v3 =	vadd.f32 v5, v3  }
0x1d6: {  	v55 =	vld [tilespmem:s23+$0x15A3B]  }
0x1d7: {  	v3 =	vadd.f32 v53, v3  }
0x1d8: {  	v56 =	vld [tilespmem:s23+$0xE14C]  }
0x1d9: {  	v3 =	vadd.f32 v54, v3  }
0x1da: {  	v57 =	vld [tilespmem:s23+$0x1624C]  }
0x1db: {  	v3 =	vadd.f32 v55, v3  }
0x1dc: {  	v58 =	vld [tilespmem:s23+$0xE95D]  }
0x1dd: {  	v3 =	vadd.f32 v56, v3  }
0x1de: {  	v59 =	vld [tilespmem:s23+$0x16A5D]  }
0x1df: {  	v3 =	vadd.f32 v57, v3  }
0x1e0: {  	v60 =	vld [tilespmem:s23+$0xF16E]  }
0x1e1: {  	v3 =	vadd.f32 v58, v3  }
0x1e2: {  	v61 =	vld [tilespmem:s23+$0x1726E]  }
0x1e3: {  	v3 =	vadd.f32 v59, v3  }
0x1e4: {  	v62 =	vld [tilespmem:s23+$0xF97F]  }
0x1e5: {  	v3 =	vadd.f32 v60, v3  }
0x1e6: {  	v63 =	vld [tilespmem:s23+$0x17A7F]  }
0x1e7: {  	v3 =	vadd.f32 v61, v3;
	_ =	sdelay $0x1  }
0x1e8: {  	v3 =	vadd.f32 v62, v3;
	_ =	sdelay $0x1  }
0x1e9: {  	s20 =	sadd.s32 $0x1, s20;
	v3 =	vadd.f32 v63, v3  }
0x1ea: {  	p0 =	sne.s32 s20, s9  }
.Ltmp5:
0x1eb: {  	[tilespmem:s23+$0x18280] =	vst v3;
	(pc) =	sbr.rel @p0 .LBB2_1-.Ltmp5, $4  }
0x1ec: {  	[hbm4b:s8+s17] =	stream.strided.scatter [tilespmem:s19], [sflag:$0x3], $0x800, s18, s17, $0x38;
	[tilespmem:$0x18A80] =	vst v63  }
0x1ed: {  	_ =	swait.ge [sflag:s11], $0x800  }
0x1ee: {  	[sflag:s11] =	ssyncset.done $0x0  }
0x1ef: {  	[sflag:s11] =	ssyncadd.s32 $0xFFFFF800  }
0x1f0: {  	_ =	sfence.sel $0x180000  }
0x1f1: {  	[bflag:$0x0] =	sbarrier.arrive $0xFFFF  }
0x1f2: {  	p0 =	sne.s32 s2, $0x0;
	_ =	strace $0x90000047  }
0x1f3: {  	s0 =	sadd.s32 @!p0 $0x100000, s0;
	[bflag:$0x2] =	sbarrier.arrive $0xFFFF  }
0x1f4: {  	[sflag:s0] =	ssyncadd.tile.s32 @!p0 $0x1;
	_ =	shalt  }
.Lfunc_end2:
_tile_overlayer_lowered:
.L_overlay_start_2:
0x1f5: {  	(tag) =	ssettag $0x2  }
0x1f6: {  	s0 =	rddreg [dreg:$0x0];
	s2 =	stileid.u32  }
0x1f7: {  	s1 =	rddreg [dreg:$0x1];
	p0 =	sne.s32 s2, $0x0  }
0x1f8: {  	s3 =	rddreg [dreg:$0x2];
	[bflag:$0x3] =	sbarrier.arrive $0xFFFF;
	s2 =	simm.s32 @!p0 $0x1C03  }
0x1f9: {  	[timem:s3], [sflag:s2] =	dma.local @!p0 [hbm:s0], s1  }
0x1fa: {  	s0 =	simm.s32 @!p0 $0x3  }
0x1fb: {  	_ =	swait.ge @!p0 [sflag:s0], s1  }
0x1fc: {  	s1 =	ssub.s32 @!p0 $0x0, s1;
	[sflag:s0] =	ssyncset.done @!p0 $0x0  }
0x1fd: {  	[sflag:s0] =	ssyncadd.s32 @!p0 s1  }
0x1fe: {  	[bflag:$0x3] =	sbarrier.arrive $0xFFFF  }
0x1ff: {  	_ =	shalt  }

</sc_bundles>
